<compile_context>
chip_gen: v7x
topology: tpu7x:2x2x1
jax: 0.10.2.dev20260603
libtpu: 0.0.44.dev20260713+nightly
codegen_flags: <defaults>
</compile_context>

<pallas_src>
import functools

import jax
import jax.numpy as jnp
from jax import lax
from jax.experimental import pallas as pl
from jax.experimental.pallas import tpu as pltpu
from jax.experimental.pallas import tpu_sc as plsc

QUEUE_ROWS = 100000
FEAT_ROWS = 8192
DIM = 256
NUM_POP = FEAT_ROWS
QUEUE_KEEP = QUEUE_ROWS - NUM_POP
L = 16
BLOCK = 64
NBUF = 7
LAG = 4


def _build_sc_kernel():
    info = plsc.get_sparse_core_info()
    nw = info.num_cores * info.num_subcores
    per_w = FEAT_ROWS // nw
    n_blk = per_w // BLOCK

    mesh = plsc.VectorSubcoreMesh(core_axis_name="c", subcore_axis_name="s")

    @functools.partial(
        pl.kernel,
        mesh=mesh,
        out_type=jax.ShapeDtypeStruct((2 * FEAT_ROWS, DIM), jnp.float32),
        scratch_types=(
            [pltpu.VMEM((per_w,), jnp.int32)]
            + [pltpu.VMEM((BLOCK,), jnp.int32)] * (2 * n_blk)
            + [pltpu.VMEM((BLOCK,), jnp.int32)] * (2 * n_blk)
            + [pltpu.VMEM((BLOCK, DIM), jnp.float32)] * NBUF
            + [pltpu.SemaphoreType.DMA] * (2 * NBUF)
        ),
    )
    def body(queue_hbm, feat_hbm, idx_hbm, out_hbm, *scratch):
        n_steps = 2 * n_blk
        raw_v = scratch[0]
        gidx = scratch[1:1 + n_steps]
        dst = scratch[1 + n_steps:1 + 2 * n_steps]
        bufs = scratch[1 + 2 * n_steps:1 + 2 * n_steps + NBUF]
        gsem = scratch[1 + 2 * n_steps + NBUF:1 + 2 * n_steps + 2 * NBUF]
        ssem = scratch[1 + 2 * n_steps + 2 * NBUF:]

        wid = lax.axis_index("s") * info.num_cores + lax.axis_index("c")
        base = wid * per_w
        lane = lax.iota(jnp.int32, L)

        pltpu.sync_copy(idx_hbm.at[pl.ds(base, per_w)], raw_v)

        for s in range(n_steps):
            from_queue = s < n_blk
            row0 = (s % n_blk) * BLOCK
            for k in range(BLOCK // L):
                v = raw_v[pl.ds(row0 + k * L, L)]
                pos = base + row0 + k * L + lane
                if from_queue:
                    mine = v < QUEUE_KEEP
                    g = jnp.where(mine, v + NUM_POP, pos)
                else:
                    mine = v >= QUEUE_KEEP
                    g = jnp.where(mine, v - QUEUE_KEEP, pos)
                gidx[s][pl.ds(k * L, L)] = g
                dst[s][pl.ds(k * L, L)] = jnp.where(mine, pos, pos + FEAT_ROWS)

        gd = [None] * n_steps
        sd = [None] * n_steps

        def issue_scatter(t):
            gd[t].wait()
            sd[t] = pltpu.async_copy(bufs[t % NBUF], out_hbm.at[dst[t]],
                                     ssem[t % NBUF])

        for s in range(n_steps):
            b = s % NBUF
            if s >= NBUF:
                sd[s - NBUF].wait()
            table = queue_hbm if s < n_blk else feat_hbm
            gd[s] = pltpu.async_copy(table.at[gidx[s]], bufs[b], gsem[b])
            if s >= LAG:
                issue_scatter(s - LAG)
        for t in range(n_steps - LAG, n_steps):
            issue_scatter(t)
        for t in range(max(0, n_steps - NBUF), n_steps):
            sd[t].wait()

    return body


_sc_gather = _build_sc_kernel()


def kernel(queue, feat, indices):
    idx32 = indices.astype(jnp.int32)
    padded = _sc_gather(queue, feat, idx32)
    return padded[:FEAT_ROWS]

# --- scband reference (transcript-rebuilt; emitter-appended) ---
"""Pipeline reference for scband-feat-queue-1434519077540 (READ-ONLY COPY).

The authoritative reference and input builder live on the scoring server;
editing this copy changes nothing except your own understanding.
"""

import jax, jax.numpy as jnp
import numpy as np

MAX_QUEUE_SIZE = 100000

def setup_inputs(seed: int = 0) -> dict:
    key = jax.random.key(seed)
    k1, k2, k3 = jax.random.split(key, 3)
    queue = jax.random.normal(k1, (100000, 256), dtype=jnp.float32)
    feat = jax.random.normal(k2, (8192, 256), dtype=jnp.float32)
    indices = jax.random.randint(k3, (8192,), 0, 100000, dtype=jnp.int64)
    return {"queue": queue, "feat": feat, "indices": indices}

def reference(queue, feat, indices):
    # FeatQueue.update -> append: concat new feats onto queue
    q = jnp.concatenate([queue, feat], axis=0)
    queue_size = q.shape[0]
    # pop oldest rows if over capacity (FeatQueue.pop)
    num_item = queue_size - MAX_QUEUE_SIZE
    if num_item > 0:
        q = q[num_item:]
    # FeatQueue.sample: gather rows by indices
    out = jnp.take(q, indices, axis=0)
    return out

if __name__ == "__main__":
    import jax
    _d = setup_inputs()
    print(jax.jit(kernel)(*tuple(_d.values())))

</pallas_src>

<mosaic_0001>
#map = affine_map<(d0, d1) -> (0, 0)>
#map1 = affine_map<(d0, d1) -> (0)>
module attributes {stable_mosaic.version = 14 : i64} {
  func.func @body(%arg0: i32, %arg1: i32, %arg2: memref<100000x256xf32, #tpu.memory_space<hbm>>, %arg3: memref<8192x256xf32, #tpu.memory_space<hbm>>, %arg4: memref<8192xi32, #tpu.memory_space<hbm>>, %arg5: memref<16384x256xf32, #tpu.memory_space<hbm>>, %arg6: memref<256xi32, #tpu.memory_space<vmem>>, %arg7: memref<64xi32, #tpu.memory_space<vmem>>, %arg8: memref<64xi32, #tpu.memory_space<vmem>>, %arg9: memref<64xi32, #tpu.memory_space<vmem>>, %arg10: memref<64xi32, #tpu.memory_space<vmem>>, %arg11: memref<64xi32, #tpu.memory_space<vmem>>, %arg12: memref<64xi32, #tpu.memory_space<vmem>>, %arg13: memref<64xi32, #tpu.memory_space<vmem>>, %arg14: memref<64xi32, #tpu.memory_space<vmem>>, %arg15: memref<64xi32, #tpu.memory_space<vmem>>, %arg16: memref<64xi32, #tpu.memory_space<vmem>>, %arg17: memref<64xi32, #tpu.memory_space<vmem>>, %arg18: memref<64xi32, #tpu.memory_space<vmem>>, %arg19: memref<64xi32, #tpu.memory_space<vmem>>, %arg20: memref<64xi32, #tpu.memory_space<vmem>>, %arg21: memref<64xi32, #tpu.memory_space<vmem>>, %arg22: memref<64xi32, #tpu.memory_space<vmem>>, %arg23: memref<64x256xf32, #tpu.memory_space<vmem>>, %arg24: memref<64x256xf32, #tpu.memory_space<vmem>>, %arg25: memref<64x256xf32, #tpu.memory_space<vmem>>, %arg26: memref<64x256xf32, #tpu.memory_space<vmem>>, %arg27: memref<64x256xf32, #tpu.memory_space<vmem>>, %arg28: memref<64x256xf32, #tpu.memory_space<vmem>>, %arg29: memref<64x256xf32, #tpu.memory_space<vmem>>, %arg30: memref<!tpu.dma_semaphore, #tpu.memory_space<semaphore_mem>>, %arg31: memref<!tpu.dma_semaphore, #tpu.memory_space<semaphore_mem>>, %arg32: memref<!tpu.dma_semaphore, #tpu.memory_space<semaphore_mem>>, %arg33: memref<!tpu.dma_semaphore, #tpu.memory_space<semaphore_mem>>, %arg34: memref<!tpu.dma_semaphore, #tpu.memory_space<semaphore_mem>>, %arg35: memref<!tpu.dma_semaphore, #tpu.memory_space<semaphore_mem>>, %arg36: memref<!tpu.dma_semaphore, #tpu.memory_space<semaphore_mem>>, %arg37: memref<!tpu.dma_semaphore, #tpu.memory_space<semaphore_mem>>, %arg38: memref<!tpu.dma_semaphore, #tpu.memory_space<semaphore_mem>>, %arg39: memref<!tpu.dma_semaphore, #tpu.memory_space<semaphore_mem>>, %arg40: memref<!tpu.dma_semaphore, #tpu.memory_space<semaphore_mem>>, %arg41: memref<!tpu.dma_semaphore, #tpu.memory_space<semaphore_mem>>, %arg42: memref<!tpu.dma_semaphore, #tpu.memory_space<semaphore_mem>>, %arg43: memref<!tpu.dma_semaphore, #tpu.memory_space<semaphore_mem>>) attributes {dimension_semantics = [#tpu.dimension_semantics<core_parallel>, #tpu.dimension_semantics<subcore_parallel>], iteration_bounds = array<i64: 2, 16>, scalar_prefetch = 0 : i64, scratch_operands = 38 : i64, tpu.core_type = #tpu.core_type<sc_vector_subcore>, window_params = [{transform_indices = #map}, {transform_indices = #map}, {transform_indices = #map1}, {transform_indices = #map}]} {
    %mul3A = arith.constant 2 : i32
    %mul3A_0 = arith.muli %arg1, %mul3A : i32
    %add3A = arith.addi %mul3A_0, %arg0 : i32
    %mul3A_1 = arith.constant 256 : i32
    %mul3A_2 = arith.muli %add3A, %mul3A_1 : i32
    %iota3A = tpu.iota {dimensions = array<i32: 0>} : vector<16xi32>
    "tpu.region"() ({
      %run_scoped3A = tpu.sem_alloc : memref<!tpu.dma_semaphore, #tpu.memory_space<semaphore_mem>>
      %dma_start3A_987 = tpu.memref_slice %arg4[%mul3A_2] : memref<8192xi32, #tpu.memory_space<hbm>> -> memref<256xi32, #tpu.memory_space<hbm>>
      %dma_start3A_988 = tpu.memref_slice %arg4[%mul3A_2] : memref<8192xi32, #tpu.memory_space<hbm>> -> memref<256xi32, #tpu.memory_space<hbm>>
      tpu.enqueue_dma source(%dma_start3A_988 : memref<256xi32, #tpu.memory_space<hbm>>) target(%arg6 : memref<256xi32, #tpu.memory_space<vmem>>) target_semaphore(%run_scoped3A : memref<!tpu.dma_semaphore, #tpu.memory_space<semaphore_mem>>)
      %dma_wait3A_989 = tpu.memref_slice %arg4[%mul3A_2] : memref<8192xi32, #tpu.memory_space<hbm>> -> memref<256xi32, #tpu.memory_space<hbm>>
      %dma_wait3A_990 = tpu.memref_slice %arg4[%mul3A_2] : memref<8192xi32, #tpu.memory_space<hbm>> -> memref<256xi32, #tpu.memory_space<hbm>>
      tpu.wait_dma2 semaphore(%run_scoped3A : memref<!tpu.dma_semaphore, #tpu.memory_space<semaphore_mem>>) src(%dma_wait3A_990 : memref<256xi32, #tpu.memory_space<hbm>>) dst(%arg6 : memref<256xi32, #tpu.memory_space<vmem>>)
      tpu.yield
    }) : () -> ()
    %get3A = arith.constant 0 : index
    %get3A_3 = tpu.vector_load %arg6[%get3A] {strides = array<i32>} : memref<256xi32, #tpu.memory_space<vmem>>, vector<16xi32>,
    %get3A_4 = vector.shape_cast %get3A_3 : vector<16xi32> to vector<16xi32>
    %add3A_5 = arith.constant 0 : i32
    %add3A_6 = arith.addi %mul3A_2, %add3A_5 : i32
    %add3A_7 = arith.constant 0 : i32
    %add3A_8 = arith.addi %add3A_6, %add3A_7 : i32
    %add3A_9 = vector.broadcast %add3A_8 : i32 to vector<16xi32>
    %add3A_10 = arith.addi %add3A_9, %iota3A : vector<16xi32>
    %lt3A = arith.constant 91808 : i32
    %lt3A_11 = vector.broadcast %lt3A : i32 to vector<16xi32>
    %lt3A_12 = arith.cmpi slt, %get3A_4, %lt3A_11 : vector<16xi32>
    %add3A_13 = arith.constant 8192 : i32
    %add3A_14 = vector.broadcast %add3A_13 : i32 to vector<16xi32>
    %add3A_15 = arith.addi %get3A_4, %add3A_14 : vector<16xi32>
    %select_n3A = arith.select %lt3A_12, %add3A_15, %add3A_10 : vector<16xi1>, vector<16xi32>
    %swap3A = arith.constant 0 : index
    %swap3A_16 = tpu.vector_load %arg7[%swap3A] {strides = array<i32>} : memref<64xi32, #tpu.memory_space<vmem>>, vector<16xi32>,
    %swap3A_17 = vector.shape_cast %swap3A_16 : vector<16xi32> to vector<16xi32>
    %swap3A_18 = vector.shape_cast %select_n3A : vector<16xi32> to vector<16xi32>
    tpu.vector_store %arg7[%swap3A], %swap3A_18 {strides = array<i32>} : memref<64xi32, #tpu.memory_space<vmem>>, vector<16xi32>,
    %add3A_19 = arith.constant 8192 : i32
    %add3A_20 = vector.broadcast %add3A_19 : i32 to vector<16xi32>
    %add3A_21 = arith.addi %add3A_10, %add3A_20 : vector<16xi32>
    %select_n3A_22 = arith.select %lt3A_12, %add3A_10, %add3A_21 : vector<16xi1>, vector<16xi32>
    %swap3A_23 = arith.constant 0 : index
    %swap3A_24 = tpu.vector_load %arg15[%swap3A_23] {strides = array<i32>} : memref<64xi32, #tpu.memory_space<vmem>>, vector<16xi32>,
    %swap3A_25 = vector.shape_cast %swap3A_24 : vector<16xi32> to vector<16xi32>
    %swap3A_26 = vector.shape_cast %select_n3A_22 : vector<16xi32> to vector<16xi32>
    tpu.vector_store %arg15[%swap3A_23], %swap3A_26 {strides = array<i32>} : memref<64xi32, #tpu.memory_space<vmem>>, vector<16xi32>,
    %get3A_27 = arith.constant 16 : index
    %get3A_28 = tpu.vector_load %arg6[%get3A_27] {strides = array<i32>} : memref<256xi32, #tpu.memory_space<vmem>>, vector<16xi32>,
    %get3A_29 = vector.shape_cast %get3A_28 : vector<16xi32> to vector<16xi32>
    %add3A_30 = arith.constant 0 : i32
    %add3A_31 = arith.addi %mul3A_2, %add3A_30 : i32
    %add3A_32 = arith.constant 16 : i32
    %add3A_33 = arith.addi %add3A_31, %add3A_32 : i32
    %add3A_34 = vector.broadcast %add3A_33 : i32 to vector<16xi32>
    %add3A_35 = arith.addi %add3A_34, %iota3A : vector<16xi32>
    %lt3A_36 = arith.constant 91808 : i32
    %lt3A_37 = vector.broadcast %lt3A_36 : i32 to vector<16xi32>
    %lt3A_38 = arith.cmpi slt, %get3A_29, %lt3A_37 : vector<16xi32>
    %add3A_39 = arith.constant 8192 : i32
    %add3A_40 = vector.broadcast %add3A_39 : i32 to vector<16xi32>
    %add3A_41 = arith.addi %get3A_29, %add3A_40 : vector<16xi32>
    %select_n3A_42 = arith.select %lt3A_38, %add3A_41, %add3A_35 : vector<16xi1>, vector<16xi32>
    %swap3A_43 = arith.constant 16 : index
    %swap3A_44 = tpu.vector_load %arg7[%swap3A_43] {strides = array<i32>} : memref<64xi32, #tpu.memory_space<vmem>>, vector<16xi32>,
    %swap3A_45 = vector.shape_cast %swap3A_44 : vector<16xi32> to vector<16xi32>
    %swap3A_46 = vector.shape_cast %select_n3A_42 : vector<16xi32> to vector<16xi32>
    tpu.vector_store %arg7[%swap3A_43], %swap3A_46 {strides = array<i32>} : memref<64xi32, #tpu.memory_space<vmem>>, vector<16xi32>,
    %add3A_47 = arith.constant 8192 : i32
    %add3A_48 = vector.broadcast %add3A_47 : i32 to vector<16xi32>
    %add3A_49 = arith.addi %add3A_35, %add3A_48 : vector<16xi32>
    %select_n3A_50 = arith.select %lt3A_38, %add3A_35, %add3A_49 : vector<16xi1>, vector<16xi32>
    %swap3A_51 = arith.constant 16 : index
    %swap3A_52 = tpu.vector_load %arg15[%swap3A_51] {strides = array<i32>} : memref<64xi32, #tpu.memory_space<vmem>>, vector<16xi32>,
    %swap3A_53 = vector.shape_cast %swap3A_52 : vector<16xi32> to vector<16xi32>
    %swap3A_54 = vector.shape_cast %select_n3A_50 : vector<16xi32> to vector<16xi32>
    tpu.vector_store %arg15[%swap3A_51], %swap3A_54 {strides = array<i32>} : memref<64xi32, #tpu.memory_space<vmem>>, vector<16xi32>,
    %get3A_55 = arith.constant 32 : index
    %get3A_56 = tpu.vector_load %arg6[%get3A_55] {strides = array<i32>} : memref<256xi32, #tpu.memory_space<vmem>>, vector<16xi32>,
    %get3A_57 = vector.shape_cast %get3A_56 : vector<16xi32> to vector<16xi32>
    %add3A_58 = arith.constant 0 : i32
    %add3A_59 = arith.addi %mul3A_2, %add3A_58 : i32
    %add3A_60 = arith.constant 32 : i32
    %add3A_61 = arith.addi %add3A_59, %add3A_60 : i32
    %add3A_62 = vector.broadcast %add3A_61 : i32 to vector<16xi32>
    %add3A_63 = arith.addi %add3A_62, %iota3A : vector<16xi32>
    %lt3A_64 = arith.constant 91808 : i32
    %lt3A_65 = vector.broadcast %lt3A_64 : i32 to vector<16xi32>
    %lt3A_66 = arith.cmpi slt, %get3A_57, %lt3A_65 : vector<16xi32>
    %add3A_67 = arith.constant 8192 : i32
    %add3A_68 = vector.broadcast %add3A_67 : i32 to vector<16xi32>
    %add3A_69 = arith.addi %get3A_57, %add3A_68 : vector<16xi32>
    %select_n3A_70 = arith.select %lt3A_66, %add3A_69, %add3A_63 : vector<16xi1>, vector<16xi32>
    %swap3A_71 = arith.constant 32 : index
    %swap3A_72 = tpu.vector_load %arg7[%swap3A_71] {strides = array<i32>} : memref<64xi32, #tpu.memory_space<vmem>>, vector<16xi32>,
    %swap3A_73 = vector.shape_cast %swap3A_72 : vector<16xi32> to vector<16xi32>
    %swap3A_74 = vector.shape_cast %select_n3A_70 : vector<16xi32> to vector<16xi32>
    tpu.vector_store %arg7[%swap3A_71], %swap3A_74 {strides = array<i32>} : memref<64xi32, #tpu.memory_space<vmem>>, vector<16xi32>,
    %add3A_75 = arith.constant 8192 : i32
    %add3A_76 = vector.broadcast %add3A_75 : i32 to vector<16xi32>
    %add3A_77 = arith.addi %add3A_63, %add3A_76 : vector<16xi32>
    %select_n3A_78 = arith.select %lt3A_66, %add3A_63, %add3A_77 : vector<16xi1>, vector<16xi32>
    %swap3A_79 = arith.constant 32 : index
    %swap3A_80 = tpu.vector_load %arg15[%swap3A_79] {strides = array<i32>} : memref<64xi32, #tpu.memory_space<vmem>>, vector<16xi32>,
    %swap3A_81 = vector.shape_cast %swap3A_80 : vector<16xi32> to vector<16xi32>
    %swap3A_82 = vector.shape_cast %select_n3A_78 : vector<16xi32> to vector<16xi32>
    tpu.vector_store %arg15[%swap3A_79], %swap3A_82 {strides = array<i32>} : memref<64xi32, #tpu.memory_space<vmem>>, vector<16xi32>,
    %get3A_83 = arith.constant 48 : index
    %get3A_84 = tpu.vector_load %arg6[%get3A_83] {strides = array<i32>} : memref<256xi32, #tpu.memory_space<vmem>>, vector<16xi32>,
    %get3A_85 = vector.shape_cast %get3A_84 : vector<16xi32> to vector<16xi32>
    %add3A_86 = arith.constant 0 : i32
    %add3A_87 = arith.addi %mul3A_2, %add3A_86 : i32
    %add3A_88 = arith.constant 48 : i32
    %add3A_89 = arith.addi %add3A_87, %add3A_88 : i32
    %add3A_90 = vector.broadcast %add3A_89 : i32 to vector<16xi32>
    %add3A_91 = arith.addi %add3A_90, %iota3A : vector<16xi32>
    %lt3A_92 = arith.constant 91808 : i32
    %lt3A_93 = vector.broadcast %lt3A_92 : i32 to vector<16xi32>
    %lt3A_94 = arith.cmpi slt, %get3A_85, %lt3A_93 : vector<16xi32>
    %add3A_95 = arith.constant 8192 : i32
    %add3A_96 = vector.broadcast %add3A_95 : i32 to vector<16xi32>
    %add3A_97 = arith.addi %get3A_85, %add3A_96 : vector<16xi32>
    %select_n3A_98 = arith.select %lt3A_94, %add3A_97, %add3A_91 : vector<16xi1>, vector<16xi32>
    %swap3A_99 = arith.constant 48 : index
    %swap3A_100 = tpu.vector_load %arg7[%swap3A_99] {strides = array<i32>} : memref<64xi32, #tpu.memory_space<vmem>>, vector<16xi32>,
    %swap3A_101 = vector.shape_cast %swap3A_100 : vector<16xi32> to vector<16xi32>
    %swap3A_102 = vector.shape_cast %select_n3A_98 : vector<16xi32> to vector<16xi32>
    tpu.vector_store %arg7[%swap3A_99], %swap3A_102 {strides = array<i32>} : memref<64xi32, #tpu.memory_space<vmem>>, vector<16xi32>,
    %add3A_103 = arith.constant 8192 : i32
    %add3A_104 = vector.broadcast %add3A_103 : i32 to vector<16xi32>
    %add3A_105 = arith.addi %add3A_91, %add3A_104 : vector<16xi32>
    %select_n3A_106 = arith.select %lt3A_94, %add3A_91, %add3A_105 : vector<16xi1>, vector<16xi32>
    %swap3A_107 = arith.constant 48 : index
    %swap3A_108 = tpu.vector_load %arg15[%swap3A_107] {strides = array<i32>} : memref<64xi32, #tpu.memory_space<vmem>>, vector<16xi32>,
    %swap3A_109 = vector.shape_cast %swap3A_108 : vector<16xi32> to vector<16xi32>
    %swap3A_110 = vector.shape_cast %select_n3A_106 : vector<16xi32> to vector<16xi32>
    tpu.vector_store %arg15[%swap3A_107], %swap3A_110 {strides = array<i32>} : memref<64xi32, #tpu.memory_space<vmem>>, vector<16xi32>,
    %get3A_111 = arith.constant 64 : index
    %get3A_112 = tpu.vector_load %arg6[%get3A_111] {strides = array<i32>} : memref<256xi32, #tpu.memory_space<vmem>>, vector<16xi32>,
    %get3A_113 = vector.shape_cast %get3A_112 : vector<16xi32> to vector<16xi32>
    %add3A_114 = arith.constant 64 : i32
    %add3A_115 = arith.addi %mul3A_2, %add3A_114 : i32
    %add3A_116 = arith.constant 0 : i32
    %add3A_117 = arith.addi %add3A_115, %add3A_116 : i32
    %add3A_118 = vector.broadcast %add3A_117 : i32 to vector<16xi32>
    %add3A_119 = arith.addi %add3A_118, %iota3A : vector<16xi32>
    %lt3A_120 = arith.constant 91808 : i32
    %lt3A_121 = vector.broadcast %lt3A_120 : i32 to vector<16xi32>
    %lt3A_122 = arith.cmpi slt, %get3A_113, %lt3A_121 : vector<16xi32>
    %add3A_123 = arith.constant 8192 : i32
    %add3A_124 = vector.broadcast %add3A_123 : i32 to vector<16xi32>
    %add3A_125 = arith.addi %get3A_113, %add3A_124 : vector<16xi32>
    %select_n3A_126 = arith.select %lt3A_122, %add3A_125, %add3A_119 : vector<16xi1>, vector<16xi32>
    %swap3A_127 = arith.constant 0 : index
    %swap3A_128 = tpu.vector_load %arg8[%swap3A_127] {strides = array<i32>} : memref<64xi32, #tpu.memory_space<vmem>>, vector<16xi32>,
    %swap3A_129 = vector.shape_cast %swap3A_128 : vector<16xi32> to vector<16xi32>
    %swap3A_130 = vector.shape_cast %select_n3A_126 : vector<16xi32> to vector<16xi32>
    tpu.vector_store %arg8[%swap3A_127], %swap3A_130 {strides = array<i32>} : memref<64xi32, #tpu.memory_space<vmem>>, vector<16xi32>,
    %add3A_131 = arith.constant 8192 : i32
    %add3A_132 = vector.broadcast %add3A_131 : i32 to vector<16xi32>
    %add3A_133 = arith.addi %add3A_119, %add3A_132 : vector<16xi32>
    %select_n3A_134 = arith.select %lt3A_122, %add3A_119, %add3A_133 : vector<16xi1>, vector<16xi32>
    %swap3A_135 = arith.constant 0 : index
    %swap3A_136 = tpu.vector_load %arg16[%swap3A_135] {strides = array<i32>} : memref<64xi32, #tpu.memory_space<vmem>>, vector<16xi32>,
    %swap3A_137 = vector.shape_cast %swap3A_136 : vector<16xi32> to vector<16xi32>
    %swap3A_138 = vector.shape_cast %select_n3A_134 : vector<16xi32> to vector<16xi32>
    tpu.vector_store %arg16[%swap3A_135], %swap3A_138 {strides = array<i32>} : memref<64xi32, #tpu.memory_space<vmem>>, vector<16xi32>,
    %get3A_139 = arith.constant 80 : index
    %get3A_140 = tpu.vector_load %arg6[%get3A_139] {strides = array<i32>} : memref<256xi32, #tpu.memory_space<vmem>>, vector<16xi32>,
    %get3A_141 = vector.shape_cast %get3A_140 : vector<16xi32> to vector<16xi32>
    %add3A_142 = arith.constant 64 : i32
    %add3A_143 = arith.addi %mul3A_2, %add3A_142 : i32
    %add3A_144 = arith.constant 16 : i32
    %add3A_145 = arith.addi %add3A_143, %add3A_144 : i32
    %add3A_146 = vector.broadcast %add3A_145 : i32 to vector<16xi32>
    %add3A_147 = arith.addi %add3A_146, %iota3A : vector<16xi32>
    %lt3A_148 = arith.constant 91808 : i32
    %lt3A_149 = vector.broadcast %lt3A_148 : i32 to vector<16xi32>
    %lt3A_150 = arith.cmpi slt, %get3A_141, %lt3A_149 : vector<16xi32>
    %add3A_151 = arith.constant 8192 : i32
    %add3A_152 = vector.broadcast %add3A_151 : i32 to vector<16xi32>
    %add3A_153 = arith.addi %get3A_141, %add3A_152 : vector<16xi32>
    %select_n3A_154 = arith.select %lt3A_150, %add3A_153, %add3A_147 : vector<16xi1>, vector<16xi32>
    %swap3A_155 = arith.constant 16 : index
    %swap3A_156 = tpu.vector_load %arg8[%swap3A_155] {strides = array<i32>} : memref<64xi32, #tpu.memory_space<vmem>>, vector<16xi32>,
    %swap3A_157 = vector.shape_cast %swap3A_156 : vector<16xi32> to vector<16xi32>
    %swap3A_158 = vector.shape_cast %select_n3A_154 : vector<16xi32> to vector<16xi32>
    tpu.vector_store %arg8[%swap3A_155], %swap3A_158 {strides = array<i32>} : memref<64xi32, #tpu.memory_space<vmem>>, vector<16xi32>,
    %add3A_159 = arith.constant 8192 : i32
    %add3A_160 = vector.broadcast %add3A_159 : i32 to vector<16xi32>
    %add3A_161 = arith.addi %add3A_147, %add3A_160 : vector<16xi32>
    %select_n3A_162 = arith.select %lt3A_150, %add3A_147, %add3A_161 : vector<16xi1>, vector<16xi32>
    %swap3A_163 = arith.constant 16 : index
    %swap3A_164 = tpu.vector_load %arg16[%swap3A_163] {strides = array<i32>} : memref<64xi32, #tpu.memory_space<vmem>>, vector<16xi32>,
    %swap3A_165 = vector.shape_cast %swap3A_164 : vector<16xi32> to vector<16xi32>
    %swap3A_166 = vector.shape_cast %select_n3A_162 : vector<16xi32> to vector<16xi32>
    tpu.vector_store %arg16[%swap3A_163], %swap3A_166 {strides = array<i32>} : memref<64xi32, #tpu.memory_space<vmem>>, vector<16xi32>,
    %get3A_167 = arith.constant 96 : index
    %get3A_168 = tpu.vector_load %arg6[%get3A_167] {strides = array<i32>} : memref<256xi32, #tpu.memory_space<vmem>>, vector<16xi32>,
    %get3A_169 = vector.shape_cast %get3A_168 : vector<16xi32> to vector<16xi32>
    %add3A_170 = arith.constant 64 : i32
    %add3A_171 = arith.addi %mul3A_2, %add3A_170 : i32
    %add3A_172 = arith.constant 32 : i32
    %add3A_173 = arith.addi %add3A_171, %add3A_172 : i32
    %add3A_174 = vector.broadcast %add3A_173 : i32 to vector<16xi32>
    %add3A_175 = arith.addi %add3A_174, %iota3A : vector<16xi32>
    %lt3A_176 = arith.constant 91808 : i32
    %lt3A_177 = vector.broadcast %lt3A_176 : i32 to vector<16xi32>
    %lt3A_178 = arith.cmpi slt, %get3A_169, %lt3A_177 : vector<16xi32>
    %add3A_179 = arith.constant 8192 : i32
    %add3A_180 = vector.broadcast %add3A_179 : i32 to vector<16xi32>
    %add3A_181 = arith.addi %get3A_169, %add3A_180 : vector<16xi32>
    %select_n3A_182 = arith.select %lt3A_178, %add3A_181, %add3A_175 : vector<16xi1>, vector<16xi32>
    %swap3A_183 = arith.constant 32 : index
    %swap3A_184 = tpu.vector_load %arg8[%swap3A_183] {strides = array<i32>} : memref<64xi32, #tpu.memory_space<vmem>>, vector<16xi32>,
    %swap3A_185 = vector.shape_cast %swap3A_184 : vector<16xi32> to vector<16xi32>
    %swap3A_186 = vector.shape_cast %select_n3A_182 : vector<16xi32> to vector<16xi32>
    tpu.vector_store %arg8[%swap3A_183], %swap3A_186 {strides = array<i32>} : memref<64xi32, #tpu.memory_space<vmem>>, vector<16xi32>,
    %add3A_187 = arith.constant 8192 : i32
    %add3A_188 = vector.broadcast %add3A_187 : i32 to vector<16xi32>
    %add3A_189 = arith.addi %add3A_175, %add3A_188 : vector<16xi32>
    %select_n3A_190 = arith.select %lt3A_178, %add3A_175, %add3A_189 : vector<16xi1>, vector<16xi32>
    %swap3A_191 = arith.constant 32 : index
    %swap3A_192 = tpu.vector_load %arg16[%swap3A_191] {strides = array<i32>} : memref<64xi32, #tpu.memory_space<vmem>>, vector<16xi32>,
    %swap3A_193 = vector.shape_cast %swap3A_192 : vector<16xi32> to vector<16xi32>
    %swap3A_194 = vector.shape_cast %select_n3A_190 : vector<16xi32> to vector<16xi32>
    tpu.vector_store %arg16[%swap3A_191], %swap3A_194 {strides = array<i32>} : memref<64xi32, #tpu.memory_space<vmem>>, vector<16xi32>,
    %get3A_195 = arith.constant 112 : index
    %get3A_196 = tpu.vector_load %arg6[%get3A_195] {strides = array<i32>} : memref<256xi32, #tpu.memory_space<vmem>>, vector<16xi32>,
    %get3A_197 = vector.shape_cast %get3A_196 : vector<16xi32> to vector<16xi32>
    %add3A_198 = arith.constant 64 : i32
    %add3A_199 = arith.addi %mul3A_2, %add3A_198 : i32
    %add3A_200 = arith.constant 48 : i32
    %add3A_201 = arith.addi %add3A_199, %add3A_200 : i32
    %add3A_202 = vector.broadcast %add3A_201 : i32 to vector<16xi32>
    %add3A_203 = arith.addi %add3A_202, %iota3A : vector<16xi32>
    %lt3A_204 = arith.constant 91808 : i32
    %lt3A_205 = vector.broadcast %lt3A_204 : i32 to vector<16xi32>
    %lt3A_206 = arith.cmpi slt, %get3A_197, %lt3A_205 : vector<16xi32>
    %add3A_207 = arith.constant 8192 : i32
    %add3A_208 = vector.broadcast %add3A_207 : i32 to vector<16xi32>
    %add3A_209 = arith.addi %get3A_197, %add3A_208 : vector<16xi32>
    %select_n3A_210 = arith.select %lt3A_206, %add3A_209, %add3A_203 : vector<16xi1>, vector<16xi32>
    %swap3A_211 = arith.constant 48 : index
    %swap3A_212 = tpu.vector_load %arg8[%swap3A_211] {strides = array<i32>} : memref<64xi32, #tpu.memory_space<vmem>>, vector<16xi32>,
    %swap3A_213 = vector.shape_cast %swap3A_212 : vector<16xi32> to vector<16xi32>
    %swap3A_214 = vector.shape_cast %select_n3A_210 : vector<16xi32> to vector<16xi32>
    tpu.vector_store %arg8[%swap3A_211], %swap3A_214 {strides = array<i32>} : memref<64xi32, #tpu.memory_space<vmem>>, vector<16xi32>,
    %add3A_215 = arith.constant 8192 : i32
    %add3A_216 = vector.broadcast %add3A_215 : i32 to vector<16xi32>
    %add3A_217 = arith.addi %add3A_203, %add3A_216 : vector<16xi32>
    %select_n3A_218 = arith.select %lt3A_206, %add3A_203, %add3A_217 : vector<16xi1>, vector<16xi32>
    %swap3A_219 = arith.constant 48 : index
    %swap3A_220 = tpu.vector_load %arg16[%swap3A_219] {strides = array<i32>} : memref<64xi32, #tpu.memory_space<vmem>>, vector<16xi32>,
    %swap3A_221 = vector.shape_cast %swap3A_220 : vector<16xi32> to vector<16xi32>
    %swap3A_222 = vector.shape_cast %select_n3A_218 : vector<16xi32> to vector<16xi32>
    tpu.vector_store %arg16[%swap3A_219], %swap3A_222 {strides = array<i32>} : memref<64xi32, #tpu.memory_space<vmem>>, vector<16xi32>,
    %get3A_223 = arith.constant 128 : index
    %get3A_224 = tpu.vector_load %arg6[%get3A_223] {strides = array<i32>} : memref<256xi32, #tpu.memory_space<vmem>>, vector<16xi32>,
    %get3A_225 = vector.shape_cast %get3A_224 : vector<16xi32> to vector<16xi32>
    %add3A_226 = arith.constant 128 : i32
    %add3A_227 = arith.addi %mul3A_2, %add3A_226 : i32
    %add3A_228 = arith.constant 0 : i32
    %add3A_229 = arith.addi %add3A_227, %add3A_228 : i32
    %add3A_230 = vector.broadcast %add3A_229 : i32 to vector<16xi32>
    %add3A_231 = arith.addi %add3A_230, %iota3A : vector<16xi32>
    %lt3A_232 = arith.constant 91808 : i32
    %lt3A_233 = vector.broadcast %lt3A_232 : i32 to vector<16xi32>
    %lt3A_234 = arith.cmpi slt, %get3A_225, %lt3A_233 : vector<16xi32>
    %add3A_235 = arith.constant 8192 : i32
    %add3A_236 = vector.broadcast %add3A_235 : i32 to vector<16xi32>
    %add3A_237 = arith.addi %get3A_225, %add3A_236 : vector<16xi32>
    %select_n3A_238 = arith.select %lt3A_234, %add3A_237, %add3A_231 : vector<16xi1>, vector<16xi32>
    %swap3A_239 = arith.constant 0 : index
    %swap3A_240 = tpu.vector_load %arg9[%swap3A_239] {strides = array<i32>} : memref<64xi32, #tpu.memory_space<vmem>>, vector<16xi32>,
    %swap3A_241 = vector.shape_cast %swap3A_240 : vector<16xi32> to vector<16xi32>
    %swap3A_242 = vector.shape_cast %select_n3A_238 : vector<16xi32> to vector<16xi32>
    tpu.vector_store %arg9[%swap3A_239], %swap3A_242 {strides = array<i32>} : memref<64xi32, #tpu.memory_space<vmem>>, vector<16xi32>,
    %add3A_243 = arith.constant 8192 : i32
    %add3A_244 = vector.broadcast %add3A_243 : i32 to vector<16xi32>
    %add3A_245 = arith.addi %add3A_231, %add3A_244 : vector<16xi32>
    %select_n3A_246 = arith.select %lt3A_234, %add3A_231, %add3A_245 : vector<16xi1>, vector<16xi32>
    %swap3A_247 = arith.constant 0 : index
    %swap3A_248 = tpu.vector_load %arg17[%swap3A_247] {strides = array<i32>} : memref<64xi32, #tpu.memory_space<vmem>>, vector<16xi32>,
    %swap3A_249 = vector.shape_cast %swap3A_248 : vector<16xi32> to vector<16xi32>
    %swap3A_250 = vector.shape_cast %select_n3A_246 : vector<16xi32> to vector<16xi32>
    tpu.vector_store %arg17[%swap3A_247], %swap3A_250 {strides = array<i32>} : memref<64xi32, #tpu.memory_space<vmem>>, vector<16xi32>,
    %get3A_251 = arith.constant 144 : index
    %get3A_252 = tpu.vector_load %arg6[%get3A_251] {strides = array<i32>} : memref<256xi32, #tpu.memory_space<vmem>>, vector<16xi32>,
    %get3A_253 = vector.shape_cast %get3A_252 : vector<16xi32> to vector<16xi32>
    %add3A_254 = arith.constant 128 : i32
    %add3A_255 = arith.addi %mul3A_2, %add3A_254 : i32
    %add3A_256 = arith.constant 16 : i32
    %add3A_257 = arith.addi %add3A_255, %add3A_256 : i32
    %add3A_258 = vector.broadcast %add3A_257 : i32 to vector<16xi32>
    %add3A_259 = arith.addi %add3A_258, %iota3A : vector<16xi32>
    %lt3A_260 = arith.constant 91808 : i32
    %lt3A_261 = vector.broadcast %lt3A_260 : i32 to vector<16xi32>
    %lt3A_262 = arith.cmpi slt, %get3A_253, %lt3A_261 : vector<16xi32>
    %add3A_263 = arith.constant 8192 : i32
    %add3A_264 = vector.broadcast %add3A_263 : i32 to vector<16xi32>
    %add3A_265 = arith.addi %get3A_253, %add3A_264 : vector<16xi32>
    %select_n3A_266 = arith.select %lt3A_262, %add3A_265, %add3A_259 : vector<16xi1>, vector<16xi32>
    %swap3A_267 = arith.constant 16 : index
    %swap3A_268 = tpu.vector_load %arg9[%swap3A_267] {strides = array<i32>} : memref<64xi32, #tpu.memory_space<vmem>>, vector<16xi32>,
    %swap3A_269 = vector.shape_cast %swap3A_268 : vector<16xi32> to vector<16xi32>
    %swap3A_270 = vector.shape_cast %select_n3A_266 : vector<16xi32> to vector<16xi32>
    tpu.vector_store %arg9[%swap3A_267], %swap3A_270 {strides = array<i32>} : memref<64xi32, #tpu.memory_space<vmem>>, vector<16xi32>,
    %add3A_271 = arith.constant 8192 : i32
    %add3A_272 = vector.broadcast %add3A_271 : i32 to vector<16xi32>
    %add3A_273 = arith.addi %add3A_259, %add3A_272 : vector<16xi32>
    %select_n3A_274 = arith.select %lt3A_262, %add3A_259, %add3A_273 : vector<16xi1>, vector<16xi32>
    %swap3A_275 = arith.constant 16 : index
    %swap3A_276 = tpu.vector_load %arg17[%swap3A_275] {strides = array<i32>} : memref<64xi32, #tpu.memory_space<vmem>>, vector<16xi32>,
    %swap3A_277 = vector.shape_cast %swap3A_276 : vector<16xi32> to vector<16xi32>
    %swap3A_278 = vector.shape_cast %select_n3A_274 : vector<16xi32> to vector<16xi32>
    tpu.vector_store %arg17[%swap3A_275], %swap3A_278 {strides = array<i32>} : memref<64xi32, #tpu.memory_space<vmem>>, vector<16xi32>,
    %get3A_279 = arith.constant 160 : index
    %get3A_280 = tpu.vector_load %arg6[%get3A_279] {strides = array<i32>} : memref<256xi32, #tpu.memory_space<vmem>>, vector<16xi32>,
    %get3A_281 = vector.shape_cast %get3A_280 : vector<16xi32> to vector<16xi32>
    %add3A_282 = arith.constant 128 : i32
    %add3A_283 = arith.addi %mul3A_2, %add3A_282 : i32
    %add3A_284 = arith.constant 32 : i32
    %add3A_285 = arith.addi %add3A_283, %add3A_284 : i32
    %add3A_286 = vector.broadcast %add3A_285 : i32 to vector<16xi32>
    %add3A_287 = arith.addi %add3A_286, %iota3A : vector<16xi32>
    %lt3A_288 = arith.constant 91808 : i32
    %lt3A_289 = vector.broadcast %lt3A_288 : i32 to vector<16xi32>
    %lt3A_290 = arith.cmpi slt, %get3A_281, %lt3A_289 : vector<16xi32>
    %add3A_291 = arith.constant 8192 : i32
    %add3A_292 = vector.broadcast %add3A_291 : i32 to vector<16xi32>
    %add3A_293 = arith.addi %get3A_281, %add3A_292 : vector<16xi32>
    %select_n3A_294 = arith.select %lt3A_290, %add3A_293, %add3A_287 : vector<16xi1>, vector<16xi32>
    %swap3A_295 = arith.constant 32 : index
    %swap3A_296 = tpu.vector_load %arg9[%swap3A_295] {strides = array<i32>} : memref<64xi32, #tpu.memory_space<vmem>>, vector<16xi32>,
    %swap3A_297 = vector.shape_cast %swap3A_296 : vector<16xi32> to vector<16xi32>
    %swap3A_298 = vector.shape_cast %select_n3A_294 : vector<16xi32> to vector<16xi32>
    tpu.vector_store %arg9[%swap3A_295], %swap3A_298 {strides = array<i32>} : memref<64xi32, #tpu.memory_space<vmem>>, vector<16xi32>,
    %add3A_299 = arith.constant 8192 : i32
    %add3A_300 = vector.broadcast %add3A_299 : i32 to vector<16xi32>
    %add3A_301 = arith.addi %add3A_287, %add3A_300 : vector<16xi32>
    %select_n3A_302 = arith.select %lt3A_290, %add3A_287, %add3A_301 : vector<16xi1>, vector<16xi32>
    %swap3A_303 = arith.constant 32 : index
    %swap3A_304 = tpu.vector_load %arg17[%swap3A_303] {strides = array<i32>} : memref<64xi32, #tpu.memory_space<vmem>>, vector<16xi32>,
    %swap3A_305 = vector.shape_cast %swap3A_304 : vector<16xi32> to vector<16xi32>
    %swap3A_306 = vector.shape_cast %select_n3A_302 : vector<16xi32> to vector<16xi32>
    tpu.vector_store %arg17[%swap3A_303], %swap3A_306 {strides = array<i32>} : memref<64xi32, #tpu.memory_space<vmem>>, vector<16xi32>,
    %get3A_307 = arith.constant 176 : index
    %get3A_308 = tpu.vector_load %arg6[%get3A_307] {strides = array<i32>} : memref<256xi32, #tpu.memory_space<vmem>>, vector<16xi32>,
    %get3A_309 = vector.shape_cast %get3A_308 : vector<16xi32> to vector<16xi32>
    %add3A_310 = arith.constant 128 : i32
    %add3A_311 = arith.addi %mul3A_2, %add3A_310 : i32
    %add3A_312 = arith.constant 48 : i32
    %add3A_313 = arith.addi %add3A_311, %add3A_312 : i32
    %add3A_314 = vector.broadcast %add3A_313 : i32 to vector<16xi32>
    %add3A_315 = arith.addi %add3A_314, %iota3A : vector<16xi32>
    %lt3A_316 = arith.constant 91808 : i32
    %lt3A_317 = vector.broadcast %lt3A_316 : i32 to vector<16xi32>
    %lt3A_318 = arith.cmpi slt, %get3A_309, %lt3A_317 : vector<16xi32>
    %add3A_319 = arith.constant 8192 : i32
    %add3A_320 = vector.broadcast %add3A_319 : i32 to vector<16xi32>
    %add3A_321 = arith.addi %get3A_309, %add3A_320 : vector<16xi32>
    %select_n3A_322 = arith.select %lt3A_318, %add3A_321, %add3A_315 : vector<16xi1>, vector<16xi32>
    %swap3A_323 = arith.constant 48 : index
    %swap3A_324 = tpu.vector_load %arg9[%swap3A_323] {strides = array<i32>} : memref<64xi32, #tpu.memory_space<vmem>>, vector<16xi32>,
    %swap3A_325 = vector.shape_cast %swap3A_324 : vector<16xi32> to vector<16xi32>
    %swap3A_326 = vector.shape_cast %select_n3A_322 : vector<16xi32> to vector<16xi32>
    tpu.vector_store %arg9[%swap3A_323], %swap3A_326 {strides = array<i32>} : memref<64xi32, #tpu.memory_space<vmem>>, vector<16xi32>,
    %add3A_327 = arith.constant 8192 : i32
    %add3A_328 = vector.broadcast %add3A_327 : i32 to vector<16xi32>
    %add3A_329 = arith.addi %add3A_315, %add3A_328 : vector<16xi32>
    %select_n3A_330 = arith.select %lt3A_318, %add3A_315, %add3A_329 : vector<16xi1>, vector<16xi32>
    %swap3A_331 = arith.constant 48 : index
    %swap3A_332 = tpu.vector_load %arg17[%swap3A_331] {strides = array<i32>} : memref<64xi32, #tpu.memory_space<vmem>>, vector<16xi32>,
    %swap3A_333 = vector.shape_cast %swap3A_332 : vector<16xi32> to vector<16xi32>
    %swap3A_334 = vector.shape_cast %select_n3A_330 : vector<16xi32> to vector<16xi32>
    tpu.vector_store %arg17[%swap3A_331], %swap3A_334 {strides = array<i32>} : memref<64xi32, #tpu.memory_space<vmem>>, vector<16xi32>,
    %get3A_335 = arith.constant 192 : index
    %get3A_336 = tpu.vector_load %arg6[%get3A_335] {strides = array<i32>} : memref<256xi32, #tpu.memory_space<vmem>>, vector<16xi32>,
    %get3A_337 = vector.shape_cast %get3A_336 : vector<16xi32> to vector<16xi32>
    %add3A_338 = arith.constant 192 : i32
    %add3A_339 = arith.addi %mul3A_2, %add3A_338 : i32
    %add3A_340 = arith.constant 0 : i32
    %add3A_341 = arith.addi %add3A_339, %add3A_340 : i32
    %add3A_342 = vector.broadcast %add3A_341 : i32 to vector<16xi32>
    %add3A_343 = arith.addi %add3A_342, %iota3A : vector<16xi32>
    %lt3A_344 = arith.constant 91808 : i32
    %lt3A_345 = vector.broadcast %lt3A_344 : i32 to vector<16xi32>
    %lt3A_346 = arith.cmpi slt, %get3A_337, %lt3A_345 : vector<16xi32>
    %add3A_347 = arith.constant 8192 : i32
    %add3A_348 = vector.broadcast %add3A_347 : i32 to vector<16xi32>
    %add3A_349 = arith.addi %get3A_337, %add3A_348 : vector<16xi32>
    %select_n3A_350 = arith.select %lt3A_346, %add3A_349, %add3A_343 : vector<16xi1>, vector<16xi32>
    %swap3A_351 = arith.constant 0 : index
    %swap3A_352 = tpu.vector_load %arg10[%swap3A_351] {strides = array<i32>} : memref<64xi32, #tpu.memory_space<vmem>>, vector<16xi32>,
    %swap3A_353 = vector.shape_cast %swap3A_352 : vector<16xi32> to vector<16xi32>
    %swap3A_354 = vector.shape_cast %select_n3A_350 : vector<16xi32> to vector<16xi32>
    tpu.vector_store %arg10[%swap3A_351], %swap3A_354 {strides = array<i32>} : memref<64xi32, #tpu.memory_space<vmem>>, vector<16xi32>,
    %add3A_355 = arith.constant 8192 : i32
    %add3A_356 = vector.broadcast %add3A_355 : i32 to vector<16xi32>
    %add3A_357 = arith.addi %add3A_343, %add3A_356 : vector<16xi32>
    %select_n3A_358 = arith.select %lt3A_346, %add3A_343, %add3A_357 : vector<16xi1>, vector<16xi32>
    %swap3A_359 = arith.constant 0 : index
    %swap3A_360 = tpu.vector_load %arg18[%swap3A_359] {strides = array<i32>} : memref<64xi32, #tpu.memory_space<vmem>>, vector<16xi32>,
    %swap3A_361 = vector.shape_cast %swap3A_360 : vector<16xi32> to vector<16xi32>
    %swap3A_362 = vector.shape_cast %select_n3A_358 : vector<16xi32> to vector<16xi32>
    tpu.vector_store %arg18[%swap3A_359], %swap3A_362 {strides = array<i32>} : memref<64xi32, #tpu.memory_space<vmem>>, vector<16xi32>,
    %get3A_363 = arith.constant 208 : index
    %get3A_364 = tpu.vector_load %arg6[%get3A_363] {strides = array<i32>} : memref<256xi32, #tpu.memory_space<vmem>>, vector<16xi32>,
    %get3A_365 = vector.shape_cast %get3A_364 : vector<16xi32> to vector<16xi32>
    %add3A_366 = arith.constant 192 : i32
    %add3A_367 = arith.addi %mul3A_2, %add3A_366 : i32
    %add3A_368 = arith.constant 16 : i32
    %add3A_369 = arith.addi %add3A_367, %add3A_368 : i32
    %add3A_370 = vector.broadcast %add3A_369 : i32 to vector<16xi32>
    %add3A_371 = arith.addi %add3A_370, %iota3A : vector<16xi32>
    %lt3A_372 = arith.constant 91808 : i32
    %lt3A_373 = vector.broadcast %lt3A_372 : i32 to vector<16xi32>
    %lt3A_374 = arith.cmpi slt, %get3A_365, %lt3A_373 : vector<16xi32>
    %add3A_375 = arith.constant 8192 : i32
    %add3A_376 = vector.broadcast %add3A_375 : i32 to vector<16xi32>
    %add3A_377 = arith.addi %get3A_365, %add3A_376 : vector<16xi32>
    %select_n3A_378 = arith.select %lt3A_374, %add3A_377, %add3A_371 : vector<16xi1>, vector<16xi32>
    %swap3A_379 = arith.constant 16 : index
    %swap3A_380 = tpu.vector_load %arg10[%swap3A_379] {strides = array<i32>} : memref<64xi32, #tpu.memory_space<vmem>>, vector<16xi32>,
    %swap3A_381 = vector.shape_cast %swap3A_380 : vector<16xi32> to vector<16xi32>
    %swap3A_382 = vector.shape_cast %select_n3A_378 : vector<16xi32> to vector<16xi32>
    tpu.vector_store %arg10[%swap3A_379], %swap3A_382 {strides = array<i32>} : memref<64xi32, #tpu.memory_space<vmem>>, vector<16xi32>,
    %add3A_383 = arith.constant 8192 : i32
    %add3A_384 = vector.broadcast %add3A_383 : i32 to vector<16xi32>
    %add3A_385 = arith.addi %add3A_371, %add3A_384 : vector<16xi32>
    %select_n3A_386 = arith.select %lt3A_374, %add3A_371, %add3A_385 : vector<16xi1>, vector<16xi32>
    %swap3A_387 = arith.constant 16 : index
    %swap3A_388 = tpu.vector_load %arg18[%swap3A_387] {strides = array<i32>} : memref<64xi32, #tpu.memory_space<vmem>>, vector<16xi32>,
    %swap3A_389 = vector.shape_cast %swap3A_388 : vector<16xi32> to vector<16xi32>
    %swap3A_390 = vector.shape_cast %select_n3A_386 : vector<16xi32> to vector<16xi32>
    tpu.vector_store %arg18[%swap3A_387], %swap3A_390 {strides = array<i32>} : memref<64xi32, #tpu.memory_space<vmem>>, vector<16xi32>,
    %get3A_391 = arith.constant 224 : index
    %get3A_392 = tpu.vector_load %arg6[%get3A_391] {strides = array<i32>} : memref<256xi32, #tpu.memory_space<vmem>>, vector<16xi32>,
    %get3A_393 = vector.shape_cast %get3A_392 : vector<16xi32> to vector<16xi32>
    %add3A_394 = arith.constant 192 : i32
    %add3A_395 = arith.addi %mul3A_2, %add3A_394 : i32
    %add3A_396 = arith.constant 32 : i32
    %add3A_397 = arith.addi %add3A_395, %add3A_396 : i32
    %add3A_398 = vector.broadcast %add3A_397 : i32 to vector<16xi32>
    %add3A_399 = arith.addi %add3A_398, %iota3A : vector<16xi32>
    %lt3A_400 = arith.constant 91808 : i32
    %lt3A_401 = vector.broadcast %lt3A_400 : i32 to vector<16xi32>
    %lt3A_402 = arith.cmpi slt, %get3A_393, %lt3A_401 : vector<16xi32>
    %add3A_403 = arith.constant 8192 : i32
    %add3A_404 = vector.broadcast %add3A_403 : i32 to vector<16xi32>
    %add3A_405 = arith.addi %get3A_393, %add3A_404 : vector<16xi32>
    %select_n3A_406 = arith.select %lt3A_402, %add3A_405, %add3A_399 : vector<16xi1>, vector<16xi32>
    %swap3A_407 = arith.constant 32 : index
    %swap3A_408 = tpu.vector_load %arg10[%swap3A_407] {strides = array<i32>} : memref<64xi32, #tpu.memory_space<vmem>>, vector<16xi32>,
    %swap3A_409 = vector.shape_cast %swap3A_408 : vector<16xi32> to vector<16xi32>
    %swap3A_410 = vector.shape_cast %select_n3A_406 : vector<16xi32> to vector<16xi32>
    tpu.vector_store %arg10[%swap3A_407], %swap3A_410 {strides = array<i32>} : memref<64xi32, #tpu.memory_space<vmem>>, vector<16xi32>,
    %add3A_411 = arith.constant 8192 : i32
    %add3A_412 = vector.broadcast %add3A_411 : i32 to vector<16xi32>
    %add3A_413 = arith.addi %add3A_399, %add3A_412 : vector<16xi32>
    %select_n3A_414 = arith.select %lt3A_402, %add3A_399, %add3A_413 : vector<16xi1>, vector<16xi32>
    %swap3A_415 = arith.constant 32 : index
    %swap3A_416 = tpu.vector_load %arg18[%swap3A_415] {strides = array<i32>} : memref<64xi32, #tpu.memory_space<vmem>>, vector<16xi32>,
    %swap3A_417 = vector.shape_cast %swap3A_416 : vector<16xi32> to vector<16xi32>
    %swap3A_418 = vector.shape_cast %select_n3A_414 : vector<16xi32> to vector<16xi32>
    tpu.vector_store %arg18[%swap3A_415], %swap3A_418 {strides = array<i32>} : memref<64xi32, #tpu.memory_space<vmem>>, vector<16xi32>,
    %get3A_419 = arith.constant 240 : index
    %get3A_420 = tpu.vector_load %arg6[%get3A_419] {strides = array<i32>} : memref<256xi32, #tpu.memory_space<vmem>>, vector<16xi32>,
    %get3A_421 = vector.shape_cast %get3A_420 : vector<16xi32> to vector<16xi32>
    %add3A_422 = arith.constant 192 : i32
    %add3A_423 = arith.addi %mul3A_2, %add3A_422 : i32
    %add3A_424 = arith.constant 48 : i32
    %add3A_425 = arith.addi %add3A_423, %add3A_424 : i32
    %add3A_426 = vector.broadcast %add3A_425 : i32 to vector<16xi32>
    %add3A_427 = arith.addi %add3A_426, %iota3A : vector<16xi32>
    %lt3A_428 = arith.constant 91808 : i32
    %lt3A_429 = vector.broadcast %lt3A_428 : i32 to vector<16xi32>
    %lt3A_430 = arith.cmpi slt, %get3A_421, %lt3A_429 : vector<16xi32>
    %add3A_431 = arith.constant 8192 : i32
    %add3A_432 = vector.broadcast %add3A_431 : i32 to vector<16xi32>
    %add3A_433 = arith.addi %get3A_421, %add3A_432 : vector<16xi32>
    %select_n3A_434 = arith.select %lt3A_430, %add3A_433, %add3A_427 : vector<16xi1>, vector<16xi32>
    %swap3A_435 = arith.constant 48 : index
    %swap3A_436 = tpu.vector_load %arg10[%swap3A_435] {strides = array<i32>} : memref<64xi32, #tpu.memory_space<vmem>>, vector<16xi32>,
    %swap3A_437 = vector.shape_cast %swap3A_436 : vector<16xi32> to vector<16xi32>
    %swap3A_438 = vector.shape_cast %select_n3A_434 : vector<16xi32> to vector<16xi32>
    tpu.vector_store %arg10[%swap3A_435], %swap3A_438 {strides = array<i32>} : memref<64xi32, #tpu.memory_space<vmem>>, vector<16xi32>,
    %add3A_439 = arith.constant 8192 : i32
    %add3A_440 = vector.broadcast %add3A_439 : i32 to vector<16xi32>
    %add3A_441 = arith.addi %add3A_427, %add3A_440 : vector<16xi32>
    %select_n3A_442 = arith.select %lt3A_430, %add3A_427, %add3A_441 : vector<16xi1>, vector<16xi32>
    %swap3A_443 = arith.constant 48 : index
    %swap3A_444 = tpu.vector_load %arg18[%swap3A_443] {strides = array<i32>} : memref<64xi32, #tpu.memory_space<vmem>>, vector<16xi32>,
    %swap3A_445 = vector.shape_cast %swap3A_444 : vector<16xi32> to vector<16xi32>
    %swap3A_446 = vector.shape_cast %select_n3A_442 : vector<16xi32> to vector<16xi32>
    tpu.vector_store %arg18[%swap3A_443], %swap3A_446 {strides = array<i32>} : memref<64xi32, #tpu.memory_space<vmem>>, vector<16xi32>,
    %get3A_447 = arith.constant 0 : index
    %get3A_448 = tpu.vector_load %arg6[%get3A_447] {strides = array<i32>} : memref<256xi32, #tpu.memory_space<vmem>>, vector<16xi32>,
    %get3A_449 = vector.shape_cast %get3A_448 : vector<16xi32> to vector<16xi32>
    %add3A_450 = arith.constant 0 : i32
    %add3A_451 = arith.addi %mul3A_2, %add3A_450 : i32
    %add3A_452 = arith.constant 0 : i32
    %add3A_453 = arith.addi %add3A_451, %add3A_452 : i32
    %add3A_454 = vector.broadcast %add3A_453 : i32 to vector<16xi32>
    %add3A_455 = arith.addi %add3A_454, %iota3A : vector<16xi32>
    %ge3A = arith.constant 91808 : i32
    %ge3A_456 = vector.broadcast %ge3A : i32 to vector<16xi32>
    %ge3A_457 = arith.cmpi sge, %get3A_449, %ge3A_456 : vector<16xi32>
    %sub3A = arith.constant 91808 : i32
    %sub3A_458 = vector.broadcast %sub3A : i32 to vector<16xi32>
    %sub3A_459 = arith.subi %get3A_449, %sub3A_458 : vector<16xi32>
    %select_n3A_460 = arith.select %ge3A_457, %sub3A_459, %add3A_455 : vector<16xi1>, vector<16xi32>
    %swap3A_461 = arith.constant 0 : index
    %swap3A_462 = tpu.vector_load %arg11[%swap3A_461] {strides = array<i32>} : memref<64xi32, #tpu.memory_space<vmem>>, vector<16xi32>,
    %swap3A_463 = vector.shape_cast %swap3A_462 : vector<16xi32> to vector<16xi32>
    %swap3A_464 = vector.shape_cast %select_n3A_460 : vector<16xi32> to vector<16xi32>
    tpu.vector_store %arg11[%swap3A_461], %swap3A_464 {strides = array<i32>} : memref<64xi32, #tpu.memory_space<vmem>>, vector<16xi32>,
    %add3A_465 = arith.constant 8192 : i32
    %add3A_466 = vector.broadcast %add3A_465 : i32 to vector<16xi32>
    %add3A_467 = arith.addi %add3A_455, %add3A_466 : vector<16xi32>
    %select_n3A_468 = arith.select %ge3A_457, %add3A_455, %add3A_467 : vector<16xi1>, vector<16xi32>
    %swap3A_469 = arith.constant 0 : index
    %swap3A_470 = tpu.vector_load %arg19[%swap3A_469] {strides = array<i32>} : memref<64xi32, #tpu.memory_space<vmem>>, vector<16xi32>,
    %swap3A_471 = vector.shape_cast %swap3A_470 : vector<16xi32> to vector<16xi32>
    %swap3A_472 = vector.shape_cast %select_n3A_468 : vector<16xi32> to vector<16xi32>
    tpu.vector_store %arg19[%swap3A_469], %swap3A_472 {strides = array<i32>} : memref<64xi32, #tpu.memory_space<vmem>>, vector<16xi32>,
    %get3A_473 = arith.constant 16 : index
    %get3A_474 = tpu.vector_load %arg6[%get3A_473] {strides = array<i32>} : memref<256xi32, #tpu.memory_space<vmem>>, vector<16xi32>,
    %get3A_475 = vector.shape_cast %get3A_474 : vector<16xi32> to vector<16xi32>
    %add3A_476 = arith.constant 0 : i32
    %add3A_477 = arith.addi %mul3A_2, %add3A_476 : i32
    %add3A_478 = arith.constant 16 : i32
    %add3A_479 = arith.addi %add3A_477, %add3A_478 : i32
    %add3A_480 = vector.broadcast %add3A_479 : i32 to vector<16xi32>
    %add3A_481 = arith.addi %add3A_480, %iota3A : vector<16xi32>
    %ge3A_482 = arith.constant 91808 : i32
    %ge3A_483 = vector.broadcast %ge3A_482 : i32 to vector<16xi32>
    %ge3A_484 = arith.cmpi sge, %get3A_475, %ge3A_483 : vector<16xi32>
    %sub3A_485 = arith.constant 91808 : i32
    %sub3A_486 = vector.broadcast %sub3A_485 : i32 to vector<16xi32>
    %sub3A_487 = arith.subi %get3A_475, %sub3A_486 : vector<16xi32>
    %select_n3A_488 = arith.select %ge3A_484, %sub3A_487, %add3A_481 : vector<16xi1>, vector<16xi32>
    %swap3A_489 = arith.constant 16 : index
    %swap3A_490 = tpu.vector_load %arg11[%swap3A_489] {strides = array<i32>} : memref<64xi32, #tpu.memory_space<vmem>>, vector<16xi32>,
    %swap3A_491 = vector.shape_cast %swap3A_490 : vector<16xi32> to vector<16xi32>
    %swap3A_492 = vector.shape_cast %select_n3A_488 : vector<16xi32> to vector<16xi32>
    tpu.vector_store %arg11[%swap3A_489], %swap3A_492 {strides = array<i32>} : memref<64xi32, #tpu.memory_space<vmem>>, vector<16xi32>,
    %add3A_493 = arith.constant 8192 : i32
    %add3A_494 = vector.broadcast %add3A_493 : i32 to vector<16xi32>
    %add3A_495 = arith.addi %add3A_481, %add3A_494 : vector<16xi32>
    %select_n3A_496 = arith.select %ge3A_484, %add3A_481, %add3A_495 : vector<16xi1>, vector<16xi32>
    %swap3A_497 = arith.constant 16 : index
    %swap3A_498 = tpu.vector_load %arg19[%swap3A_497] {strides = array<i32>} : memref<64xi32, #tpu.memory_space<vmem>>, vector<16xi32>,
    %swap3A_499 = vector.shape_cast %swap3A_498 : vector<16xi32> to vector<16xi32>
    %swap3A_500 = vector.shape_cast %select_n3A_496 : vector<16xi32> to vector<16xi32>
    tpu.vector_store %arg19[%swap3A_497], %swap3A_500 {strides = array<i32>} : memref<64xi32, #tpu.memory_space<vmem>>, vector<16xi32>,
    %get3A_501 = arith.constant 32 : index
    %get3A_502 = tpu.vector_load %arg6[%get3A_501] {strides = array<i32>} : memref<256xi32, #tpu.memory_space<vmem>>, vector<16xi32>,
    %get3A_503 = vector.shape_cast %get3A_502 : vector<16xi32> to vector<16xi32>
    %add3A_504 = arith.constant 0 : i32
    %add3A_505 = arith.addi %mul3A_2, %add3A_504 : i32
    %add3A_506 = arith.constant 32 : i32
    %add3A_507 = arith.addi %add3A_505, %add3A_506 : i32
    %add3A_508 = vector.broadcast %add3A_507 : i32 to vector<16xi32>
    %add3A_509 = arith.addi %add3A_508, %iota3A : vector<16xi32>
    %ge3A_510 = arith.constant 91808 : i32
    %ge3A_511 = vector.broadcast %ge3A_510 : i32 to vector<16xi32>
    %ge3A_512 = arith.cmpi sge, %get3A_503, %ge3A_511 : vector<16xi32>
    %sub3A_513 = arith.constant 91808 : i32
    %sub3A_514 = vector.broadcast %sub3A_513 : i32 to vector<16xi32>
    %sub3A_515 = arith.subi %get3A_503, %sub3A_514 : vector<16xi32>
    %select_n3A_516 = arith.select %ge3A_512, %sub3A_515, %add3A_509 : vector<16xi1>, vector<16xi32>
    %swap3A_517 = arith.constant 32 : index
    %swap3A_518 = tpu.vector_load %arg11[%swap3A_517] {strides = array<i32>} : memref<64xi32, #tpu.memory_space<vmem>>, vector<16xi32>,
    %swap3A_519 = vector.shape_cast %swap3A_518 : vector<16xi32> to vector<16xi32>
    %swap3A_520 = vector.shape_cast %select_n3A_516 : vector<16xi32> to vector<16xi32>
    tpu.vector_store %arg11[%swap3A_517], %swap3A_520 {strides = array<i32>} : memref<64xi32, #tpu.memory_space<vmem>>, vector<16xi32>,
    %add3A_521 = arith.constant 8192 : i32
    %add3A_522 = vector.broadcast %add3A_521 : i32 to vector<16xi32>
    %add3A_523 = arith.addi %add3A_509, %add3A_522 : vector<16xi32>
    %select_n3A_524 = arith.select %ge3A_512, %add3A_509, %add3A_523 : vector<16xi1>, vector<16xi32>
    %swap3A_525 = arith.constant 32 : index
    %swap3A_526 = tpu.vector_load %arg19[%swap3A_525] {strides = array<i32>} : memref<64xi32, #tpu.memory_space<vmem>>, vector<16xi32>,
    %swap3A_527 = vector.shape_cast %swap3A_526 : vector<16xi32> to vector<16xi32>
    %swap3A_528 = vector.shape_cast %select_n3A_524 : vector<16xi32> to vector<16xi32>
    tpu.vector_store %arg19[%swap3A_525], %swap3A_528 {strides = array<i32>} : memref<64xi32, #tpu.memory_space<vmem>>, vector<16xi32>,
    %get3A_529 = arith.constant 48 : index
    %get3A_530 = tpu.vector_load %arg6[%get3A_529] {strides = array<i32>} : memref<256xi32, #tpu.memory_space<vmem>>, vector<16xi32>,
    %get3A_531 = vector.shape_cast %get3A_530 : vector<16xi32> to vector<16xi32>
    %add3A_532 = arith.constant 0 : i32
    %add3A_533 = arith.addi %mul3A_2, %add3A_532 : i32
    %add3A_534 = arith.constant 48 : i32
    %add3A_535 = arith.addi %add3A_533, %add3A_534 : i32
    %add3A_536 = vector.broadcast %add3A_535 : i32 to vector<16xi32>
    %add3A_537 = arith.addi %add3A_536, %iota3A : vector<16xi32>
    %ge3A_538 = arith.constant 91808 : i32
    %ge3A_539 = vector.broadcast %ge3A_538 : i32 to vector<16xi32>
    %ge3A_540 = arith.cmpi sge, %get3A_531, %ge3A_539 : vector<16xi32>
    %sub3A_541 = arith.constant 91808 : i32
    %sub3A_542 = vector.broadcast %sub3A_541 : i32 to vector<16xi32>
    %sub3A_543 = arith.subi %get3A_531, %sub3A_542 : vector<16xi32>
    %select_n3A_544 = arith.select %ge3A_540, %sub3A_543, %add3A_537 : vector<16xi1>, vector<16xi32>
    %swap3A_545 = arith.constant 48 : index
    %swap3A_546 = tpu.vector_load %arg11[%swap3A_545] {strides = array<i32>} : memref<64xi32, #tpu.memory_space<vmem>>, vector<16xi32>,
    %swap3A_547 = vector.shape_cast %swap3A_546 : vector<16xi32> to vector<16xi32>
    %swap3A_548 = vector.shape_cast %select_n3A_544 : vector<16xi32> to vector<16xi32>
    tpu.vector_store %arg11[%swap3A_545], %swap3A_548 {strides = array<i32>} : memref<64xi32, #tpu.memory_space<vmem>>, vector<16xi32>,
    %add3A_549 = arith.constant 8192 : i32
    %add3A_550 = vector.broadcast %add3A_549 : i32 to vector<16xi32>
    %add3A_551 = arith.addi %add3A_537, %add3A_550 : vector<16xi32>
    %select_n3A_552 = arith.select %ge3A_540, %add3A_537, %add3A_551 : vector<16xi1>, vector<16xi32>
    %swap3A_553 = arith.constant 48 : index
    %swap3A_554 = tpu.vector_load %arg19[%swap3A_553] {strides = array<i32>} : memref<64xi32, #tpu.memory_space<vmem>>, vector<16xi32>,
    %swap3A_555 = vector.shape_cast %swap3A_554 : vector<16xi32> to vector<16xi32>
    %swap3A_556 = vector.shape_cast %select_n3A_552 : vector<16xi32> to vector<16xi32>
    tpu.vector_store %arg19[%swap3A_553], %swap3A_556 {strides = array<i32>} : memref<64xi32, #tpu.memory_space<vmem>>, vector<16xi32>,
    %get3A_557 = arith.constant 64 : index
    %get3A_558 = tpu.vector_load %arg6[%get3A_557] {strides = array<i32>} : memref<256xi32, #tpu.memory_space<vmem>>, vector<16xi32>,
    %get3A_559 = vector.shape_cast %get3A_558 : vector<16xi32> to vector<16xi32>
    %add3A_560 = arith.constant 64 : i32
    %add3A_561 = arith.addi %mul3A_2, %add3A_560 : i32
    %add3A_562 = arith.constant 0 : i32
    %add3A_563 = arith.addi %add3A_561, %add3A_562 : i32
    %add3A_564 = vector.broadcast %add3A_563 : i32 to vector<16xi32>
    %add3A_565 = arith.addi %add3A_564, %iota3A : vector<16xi32>
    %ge3A_566 = arith.constant 91808 : i32
    %ge3A_567 = vector.broadcast %ge3A_566 : i32 to vector<16xi32>
    %ge3A_568 = arith.cmpi sge, %get3A_559, %ge3A_567 : vector<16xi32>
    %sub3A_569 = arith.constant 91808 : i32
    %sub3A_570 = vector.broadcast %sub3A_569 : i32 to vector<16xi32>
    %sub3A_571 = arith.subi %get3A_559, %sub3A_570 : vector<16xi32>
    %select_n3A_572 = arith.select %ge3A_568, %sub3A_571, %add3A_565 : vector<16xi1>, vector<16xi32>
    %swap3A_573 = arith.constant 0 : index
    %swap3A_574 = tpu.vector_load %arg12[%swap3A_573] {strides = array<i32>} : memref<64xi32, #tpu.memory_space<vmem>>, vector<16xi32>,
    %swap3A_575 = vector.shape_cast %swap3A_574 : vector<16xi32> to vector<16xi32>
    %swap3A_576 = vector.shape_cast %select_n3A_572 : vector<16xi32> to vector<16xi32>
    tpu.vector_store %arg12[%swap3A_573], %swap3A_576 {strides = array<i32>} : memref<64xi32, #tpu.memory_space<vmem>>, vector<16xi32>,
    %add3A_577 = arith.constant 8192 : i32
    %add3A_578 = vector.broadcast %add3A_577 : i32 to vector<16xi32>
    %add3A_579 = arith.addi %add3A_565, %add3A_578 : vector<16xi32>
    %select_n3A_580 = arith.select %ge3A_568, %add3A_565, %add3A_579 : vector<16xi1>, vector<16xi32>
    %swap3A_581 = arith.constant 0 : index
    %swap3A_582 = tpu.vector_load %arg20[%swap3A_581] {strides = array<i32>} : memref<64xi32, #tpu.memory_space<vmem>>, vector<16xi32>,
    %swap3A_583 = vector.shape_cast %swap3A_582 : vector<16xi32> to vector<16xi32>
    %swap3A_584 = vector.shape_cast %select_n3A_580 : vector<16xi32> to vector<16xi32>
    tpu.vector_store %arg20[%swap3A_581], %swap3A_584 {strides = array<i32>} : memref<64xi32, #tpu.memory_space<vmem>>, vector<16xi32>,
    %get3A_585 = arith.constant 80 : index
    %get3A_586 = tpu.vector_load %arg6[%get3A_585] {strides = array<i32>} : memref<256xi32, #tpu.memory_space<vmem>>, vector<16xi32>,
    %get3A_587 = vector.shape_cast %get3A_586 : vector<16xi32> to vector<16xi32>
    %add3A_588 = arith.constant 64 : i32
    %add3A_589 = arith.addi %mul3A_2, %add3A_588 : i32
    %add3A_590 = arith.constant 16 : i32
    %add3A_591 = arith.addi %add3A_589, %add3A_590 : i32
    %add3A_592 = vector.broadcast %add3A_591 : i32 to vector<16xi32>
    %add3A_593 = arith.addi %add3A_592, %iota3A : vector<16xi32>
    %ge3A_594 = arith.constant 91808 : i32
    %ge3A_595 = vector.broadcast %ge3A_594 : i32 to vector<16xi32>
    %ge3A_596 = arith.cmpi sge, %get3A_587, %ge3A_595 : vector<16xi32>
    %sub3A_597 = arith.constant 91808 : i32
    %sub3A_598 = vector.broadcast %sub3A_597 : i32 to vector<16xi32>
    %sub3A_599 = arith.subi %get3A_587, %sub3A_598 : vector<16xi32>
    %select_n3A_600 = arith.select %ge3A_596, %sub3A_599, %add3A_593 : vector<16xi1>, vector<16xi32>
    %swap3A_601 = arith.constant 16 : index
    %swap3A_602 = tpu.vector_load %arg12[%swap3A_601] {strides = array<i32>} : memref<64xi32, #tpu.memory_space<vmem>>, vector<16xi32>,
    %swap3A_603 = vector.shape_cast %swap3A_602 : vector<16xi32> to vector<16xi32>
    %swap3A_604 = vector.shape_cast %select_n3A_600 : vector<16xi32> to vector<16xi32>
    tpu.vector_store %arg12[%swap3A_601], %swap3A_604 {strides = array<i32>} : memref<64xi32, #tpu.memory_space<vmem>>, vector<16xi32>,
    %add3A_605 = arith.constant 8192 : i32
    %add3A_606 = vector.broadcast %add3A_605 : i32 to vector<16xi32>
    %add3A_607 = arith.addi %add3A_593, %add3A_606 : vector<16xi32>
    %select_n3A_608 = arith.select %ge3A_596, %add3A_593, %add3A_607 : vector<16xi1>, vector<16xi32>
    %swap3A_609 = arith.constant 16 : index
    %swap3A_610 = tpu.vector_load %arg20[%swap3A_609] {strides = array<i32>} : memref<64xi32, #tpu.memory_space<vmem>>, vector<16xi32>,
    %swap3A_611 = vector.shape_cast %swap3A_610 : vector<16xi32> to vector<16xi32>
    %swap3A_612 = vector.shape_cast %select_n3A_608 : vector<16xi32> to vector<16xi32>
    tpu.vector_store %arg20[%swap3A_609], %swap3A_612 {strides = array<i32>} : memref<64xi32, #tpu.memory_space<vmem>>, vector<16xi32>,
    %get3A_613 = arith.constant 96 : index
    %get3A_614 = tpu.vector_load %arg6[%get3A_613] {strides = array<i32>} : memref<256xi32, #tpu.memory_space<vmem>>, vector<16xi32>,
    %get3A_615 = vector.shape_cast %get3A_614 : vector<16xi32> to vector<16xi32>
    %add3A_616 = arith.constant 64 : i32
    %add3A_617 = arith.addi %mul3A_2, %add3A_616 : i32
    %add3A_618 = arith.constant 32 : i32
    %add3A_619 = arith.addi %add3A_617, %add3A_618 : i32
    %add3A_620 = vector.broadcast %add3A_619 : i32 to vector<16xi32>
    %add3A_621 = arith.addi %add3A_620, %iota3A : vector<16xi32>
    %ge3A_622 = arith.constant 91808 : i32
    %ge3A_623 = vector.broadcast %ge3A_622 : i32 to vector<16xi32>
    %ge3A_624 = arith.cmpi sge, %get3A_615, %ge3A_623 : vector<16xi32>
    %sub3A_625 = arith.constant 91808 : i32
    %sub3A_626 = vector.broadcast %sub3A_625 : i32 to vector<16xi32>
    %sub3A_627 = arith.subi %get3A_615, %sub3A_626 : vector<16xi32>
    %select_n3A_628 = arith.select %ge3A_624, %sub3A_627, %add3A_621 : vector<16xi1>, vector<16xi32>
    %swap3A_629 = arith.constant 32 : index
    %swap3A_630 = tpu.vector_load %arg12[%swap3A_629] {strides = array<i32>} : memref<64xi32, #tpu.memory_space<vmem>>, vector<16xi32>,
    %swap3A_631 = vector.shape_cast %swap3A_630 : vector<16xi32> to vector<16xi32>
    %swap3A_632 = vector.shape_cast %select_n3A_628 : vector<16xi32> to vector<16xi32>
    tpu.vector_store %arg12[%swap3A_629], %swap3A_632 {strides = array<i32>} : memref<64xi32, #tpu.memory_space<vmem>>, vector<16xi32>,
    %add3A_633 = arith.constant 8192 : i32
    %add3A_634 = vector.broadcast %add3A_633 : i32 to vector<16xi32>
    %add3A_635 = arith.addi %add3A_621, %add3A_634 : vector<16xi32>
    %select_n3A_636 = arith.select %ge3A_624, %add3A_621, %add3A_635 : vector<16xi1>, vector<16xi32>
    %swap3A_637 = arith.constant 32 : index
    %swap3A_638 = tpu.vector_load %arg20[%swap3A_637] {strides = array<i32>} : memref<64xi32, #tpu.memory_space<vmem>>, vector<16xi32>,
    %swap3A_639 = vector.shape_cast %swap3A_638 : vector<16xi32> to vector<16xi32>
    %swap3A_640 = vector.shape_cast %select_n3A_636 : vector<16xi32> to vector<16xi32>
    tpu.vector_store %arg20[%swap3A_637], %swap3A_640 {strides = array<i32>} : memref<64xi32, #tpu.memory_space<vmem>>, vector<16xi32>,
    %get3A_641 = arith.constant 112 : index
    %get3A_642 = tpu.vector_load %arg6[%get3A_641] {strides = array<i32>} : memref<256xi32, #tpu.memory_space<vmem>>, vector<16xi32>,
    %get3A_643 = vector.shape_cast %get3A_642 : vector<16xi32> to vector<16xi32>
    %add3A_644 = arith.constant 64 : i32
    %add3A_645 = arith.addi %mul3A_2, %add3A_644 : i32
    %add3A_646 = arith.constant 48 : i32
    %add3A_647 = arith.addi %add3A_645, %add3A_646 : i32
    %add3A_648 = vector.broadcast %add3A_647 : i32 to vector<16xi32>
    %add3A_649 = arith.addi %add3A_648, %iota3A : vector<16xi32>
    %ge3A_650 = arith.constant 91808 : i32
    %ge3A_651 = vector.broadcast %ge3A_650 : i32 to vector<16xi32>
    %ge3A_652 = arith.cmpi sge, %get3A_643, %ge3A_651 : vector<16xi32>
    %sub3A_653 = arith.constant 91808 : i32
    %sub3A_654 = vector.broadcast %sub3A_653 : i32 to vector<16xi32>
    %sub3A_655 = arith.subi %get3A_643, %sub3A_654 : vector<16xi32>
    %select_n3A_656 = arith.select %ge3A_652, %sub3A_655, %add3A_649 : vector<16xi1>, vector<16xi32>
    %swap3A_657 = arith.constant 48 : index
    %swap3A_658 = tpu.vector_load %arg12[%swap3A_657] {strides = array<i32>} : memref<64xi32, #tpu.memory_space<vmem>>, vector<16xi32>,
    %swap3A_659 = vector.shape_cast %swap3A_658 : vector<16xi32> to vector<16xi32>
    %swap3A_660 = vector.shape_cast %select_n3A_656 : vector<16xi32> to vector<16xi32>
    tpu.vector_store %arg12[%swap3A_657], %swap3A_660 {strides = array<i32>} : memref<64xi32, #tpu.memory_space<vmem>>, vector<16xi32>,
    %add3A_661 = arith.constant 8192 : i32
    %add3A_662 = vector.broadcast %add3A_661 : i32 to vector<16xi32>
    %add3A_663 = arith.addi %add3A_649, %add3A_662 : vector<16xi32>
    %select_n3A_664 = arith.select %ge3A_652, %add3A_649, %add3A_663 : vector<16xi1>, vector<16xi32>
    %swap3A_665 = arith.constant 48 : index
    %swap3A_666 = tpu.vector_load %arg20[%swap3A_665] {strides = array<i32>} : memref<64xi32, #tpu.memory_space<vmem>>, vector<16xi32>,
    %swap3A_667 = vector.shape_cast %swap3A_666 : vector<16xi32> to vector<16xi32>
    %swap3A_668 = vector.shape_cast %select_n3A_664 : vector<16xi32> to vector<16xi32>
    tpu.vector_store %arg20[%swap3A_665], %swap3A_668 {strides = array<i32>} : memref<64xi32, #tpu.memory_space<vmem>>, vector<16xi32>,
    %get3A_669 = arith.constant 128 : index
    %get3A_670 = tpu.vector_load %arg6[%get3A_669] {strides = array<i32>} : memref<256xi32, #tpu.memory_space<vmem>>, vector<16xi32>,
    %get3A_671 = vector.shape_cast %get3A_670 : vector<16xi32> to vector<16xi32>
    %add3A_672 = arith.constant 128 : i32
    %add3A_673 = arith.addi %mul3A_2, %add3A_672 : i32
    %add3A_674 = arith.constant 0 : i32
    %add3A_675 = arith.addi %add3A_673, %add3A_674 : i32
    %add3A_676 = vector.broadcast %add3A_675 : i32 to vector<16xi32>
    %add3A_677 = arith.addi %add3A_676, %iota3A : vector<16xi32>
    %ge3A_678 = arith.constant 91808 : i32
    %ge3A_679 = vector.broadcast %ge3A_678 : i32 to vector<16xi32>
    %ge3A_680 = arith.cmpi sge, %get3A_671, %ge3A_679 : vector<16xi32>
    %sub3A_681 = arith.constant 91808 : i32
    %sub3A_682 = vector.broadcast %sub3A_681 : i32 to vector<16xi32>
    %sub3A_683 = arith.subi %get3A_671, %sub3A_682 : vector<16xi32>
    %select_n3A_684 = arith.select %ge3A_680, %sub3A_683, %add3A_677 : vector<16xi1>, vector<16xi32>
    %swap3A_685 = arith.constant 0 : index
    %swap3A_686 = tpu.vector_load %arg13[%swap3A_685] {strides = array<i32>} : memref<64xi32, #tpu.memory_space<vmem>>, vector<16xi32>,
    %swap3A_687 = vector.shape_cast %swap3A_686 : vector<16xi32> to vector<16xi32>
    %swap3A_688 = vector.shape_cast %select_n3A_684 : vector<16xi32> to vector<16xi32>
    tpu.vector_store %arg13[%swap3A_685], %swap3A_688 {strides = array<i32>} : memref<64xi32, #tpu.memory_space<vmem>>, vector<16xi32>,
    %add3A_689 = arith.constant 8192 : i32
    %add3A_690 = vector.broadcast %add3A_689 : i32 to vector<16xi32>
    %add3A_691 = arith.addi %add3A_677, %add3A_690 : vector<16xi32>
    %select_n3A_692 = arith.select %ge3A_680, %add3A_677, %add3A_691 : vector<16xi1>, vector<16xi32>
    %swap3A_693 = arith.constant 0 : index
    %swap3A_694 = tpu.vector_load %arg21[%swap3A_693] {strides = array<i32>} : memref<64xi32, #tpu.memory_space<vmem>>, vector<16xi32>,
    %swap3A_695 = vector.shape_cast %swap3A_694 : vector<16xi32> to vector<16xi32>
    %swap3A_696 = vector.shape_cast %select_n3A_692 : vector<16xi32> to vector<16xi32>
    tpu.vector_store %arg21[%swap3A_693], %swap3A_696 {strides = array<i32>} : memref<64xi32, #tpu.memory_space<vmem>>, vector<16xi32>,
    %get3A_697 = arith.constant 144 : index
    %get3A_698 = tpu.vector_load %arg6[%get3A_697] {strides = array<i32>} : memref<256xi32, #tpu.memory_space<vmem>>, vector<16xi32>,
    %get3A_699 = vector.shape_cast %get3A_698 : vector<16xi32> to vector<16xi32>
    %add3A_700 = arith.constant 128 : i32
    %add3A_701 = arith.addi %mul3A_2, %add3A_700 : i32
    %add3A_702 = arith.constant 16 : i32
    %add3A_703 = arith.addi %add3A_701, %add3A_702 : i32
    %add3A_704 = vector.broadcast %add3A_703 : i32 to vector<16xi32>
    %add3A_705 = arith.addi %add3A_704, %iota3A : vector<16xi32>
    %ge3A_706 = arith.constant 91808 : i32
    %ge3A_707 = vector.broadcast %ge3A_706 : i32 to vector<16xi32>
    %ge3A_708 = arith.cmpi sge, %get3A_699, %ge3A_707 : vector<16xi32>
    %sub3A_709 = arith.constant 91808 : i32
    %sub3A_710 = vector.broadcast %sub3A_709 : i32 to vector<16xi32>
    %sub3A_711 = arith.subi %get3A_699, %sub3A_710 : vector<16xi32>
    %select_n3A_712 = arith.select %ge3A_708, %sub3A_711, %add3A_705 : vector<16xi1>, vector<16xi32>
    %swap3A_713 = arith.constant 16 : index
    %swap3A_714 = tpu.vector_load %arg13[%swap3A_713] {strides = array<i32>} : memref<64xi32, #tpu.memory_space<vmem>>, vector<16xi32>,
    %swap3A_715 = vector.shape_cast %swap3A_714 : vector<16xi32> to vector<16xi32>
    %swap3A_716 = vector.shape_cast %select_n3A_712 : vector<16xi32> to vector<16xi32>
    tpu.vector_store %arg13[%swap3A_713], %swap3A_716 {strides = array<i32>} : memref<64xi32, #tpu.memory_space<vmem>>, vector<16xi32>,
    %add3A_717 = arith.constant 8192 : i32
    %add3A_718 = vector.broadcast %add3A_717 : i32 to vector<16xi32>
    %add3A_719 = arith.addi %add3A_705, %add3A_718 : vector<16xi32>
    %select_n3A_720 = arith.select %ge3A_708, %add3A_705, %add3A_719 : vector<16xi1>, vector<16xi32>
    %swap3A_721 = arith.constant 16 : index
    %swap3A_722 = tpu.vector_load %arg21[%swap3A_721] {strides = array<i32>} : memref<64xi32, #tpu.memory_space<vmem>>, vector<16xi32>,
    %swap3A_723 = vector.shape_cast %swap3A_722 : vector<16xi32> to vector<16xi32>
    %swap3A_724 = vector.shape_cast %select_n3A_720 : vector<16xi32> to vector<16xi32>
    tpu.vector_store %arg21[%swap3A_721], %swap3A_724 {strides = array<i32>} : memref<64xi32, #tpu.memory_space<vmem>>, vector<16xi32>,
    %get3A_725 = arith.constant 160 : index
    %get3A_726 = tpu.vector_load %arg6[%get3A_725] {strides = array<i32>} : memref<256xi32, #tpu.memory_space<vmem>>, vector<16xi32>,
    %get3A_727 = vector.shape_cast %get3A_726 : vector<16xi32> to vector<16xi32>
    %add3A_728 = arith.constant 128 : i32
    %add3A_729 = arith.addi %mul3A_2, %add3A_728 : i32
    %add3A_730 = arith.constant 32 : i32
    %add3A_731 = arith.addi %add3A_729, %add3A_730 : i32
    %add3A_732 = vector.broadcast %add3A_731 : i32 to vector<16xi32>
    %add3A_733 = arith.addi %add3A_732, %iota3A : vector<16xi32>
    %ge3A_734 = arith.constant 91808 : i32
    %ge3A_735 = vector.broadcast %ge3A_734 : i32 to vector<16xi32>
    %ge3A_736 = arith.cmpi sge, %get3A_727, %ge3A_735 : vector<16xi32>
    %sub3A_737 = arith.constant 91808 : i32
    %sub3A_738 = vector.broadcast %sub3A_737 : i32 to vector<16xi32>
    %sub3A_739 = arith.subi %get3A_727, %sub3A_738 : vector<16xi32>
    %select_n3A_740 = arith.select %ge3A_736, %sub3A_739, %add3A_733 : vector<16xi1>, vector<16xi32>
    %swap3A_741 = arith.constant 32 : index
    %swap3A_742 = tpu.vector_load %arg13[%swap3A_741] {strides = array<i32>} : memref<64xi32, #tpu.memory_space<vmem>>, vector<16xi32>,
    %swap3A_743 = vector.shape_cast %swap3A_742 : vector<16xi32> to vector<16xi32>
    %swap3A_744 = vector.shape_cast %select_n3A_740 : vector<16xi32> to vector<16xi32>
    tpu.vector_store %arg13[%swap3A_741], %swap3A_744 {strides = array<i32>} : memref<64xi32, #tpu.memory_space<vmem>>, vector<16xi32>,
    %add3A_745 = arith.constant 8192 : i32
    %add3A_746 = vector.broadcast %add3A_745 : i32 to vector<16xi32>
    %add3A_747 = arith.addi %add3A_733, %add3A_746 : vector<16xi32>
    %select_n3A_748 = arith.select %ge3A_736, %add3A_733, %add3A_747 : vector<16xi1>, vector<16xi32>
    %swap3A_749 = arith.constant 32 : index
    %swap3A_750 = tpu.vector_load %arg21[%swap3A_749] {strides = array<i32>} : memref<64xi32, #tpu.memory_space<vmem>>, vector<16xi32>,
    %swap3A_751 = vector.shape_cast %swap3A_750 : vector<16xi32> to vector<16xi32>
    %swap3A_752 = vector.shape_cast %select_n3A_748 : vector<16xi32> to vector<16xi32>
    tpu.vector_store %arg21[%swap3A_749], %swap3A_752 {strides = array<i32>} : memref<64xi32, #tpu.memory_space<vmem>>, vector<16xi32>,
    %get3A_753 = arith.constant 176 : index
    %get3A_754 = tpu.vector_load %arg6[%get3A_753] {strides = array<i32>} : memref<256xi32, #tpu.memory_space<vmem>>, vector<16xi32>,
    %get3A_755 = vector.shape_cast %get3A_754 : vector<16xi32> to vector<16xi32>
    %add3A_756 = arith.constant 128 : i32
    %add3A_757 = arith.addi %mul3A_2, %add3A_756 : i32
    %add3A_758 = arith.constant 48 : i32
    %add3A_759 = arith.addi %add3A_757, %add3A_758 : i32
    %add3A_760 = vector.broadcast %add3A_759 : i32 to vector<16xi32>
    %add3A_761 = arith.addi %add3A_760, %iota3A : vector<16xi32>
    %ge3A_762 = arith.constant 91808 : i32
    %ge3A_763 = vector.broadcast %ge3A_762 : i32 to vector<16xi32>
    %ge3A_764 = arith.cmpi sge, %get3A_755, %ge3A_763 : vector<16xi32>
    %sub3A_765 = arith.constant 91808 : i32
    %sub3A_766 = vector.broadcast %sub3A_765 : i32 to vector<16xi32>
    %sub3A_767 = arith.subi %get3A_755, %sub3A_766 : vector<16xi32>
    %select_n3A_768 = arith.select %ge3A_764, %sub3A_767, %add3A_761 : vector<16xi1>, vector<16xi32>
    %swap3A_769 = arith.constant 48 : index
    %swap3A_770 = tpu.vector_load %arg13[%swap3A_769] {strides = array<i32>} : memref<64xi32, #tpu.memory_space<vmem>>, vector<16xi32>,
    %swap3A_771 = vector.shape_cast %swap3A_770 : vector<16xi32> to vector<16xi32>
    %swap3A_772 = vector.shape_cast %select_n3A_768 : vector<16xi32> to vector<16xi32>
    tpu.vector_store %arg13[%swap3A_769], %swap3A_772 {strides = array<i32>} : memref<64xi32, #tpu.memory_space<vmem>>, vector<16xi32>,
    %add3A_773 = arith.constant 8192 : i32
    %add3A_774 = vector.broadcast %add3A_773 : i32 to vector<16xi32>
    %add3A_775 = arith.addi %add3A_761, %add3A_774 : vector<16xi32>
    %select_n3A_776 = arith.select %ge3A_764, %add3A_761, %add3A_775 : vector<16xi1>, vector<16xi32>
    %swap3A_777 = arith.constant 48 : index
    %swap3A_778 = tpu.vector_load %arg21[%swap3A_777] {strides = array<i32>} : memref<64xi32, #tpu.memory_space<vmem>>, vector<16xi32>,
    %swap3A_779 = vector.shape_cast %swap3A_778 : vector<16xi32> to vector<16xi32>
    %swap3A_780 = vector.shape_cast %select_n3A_776 : vector<16xi32> to vector<16xi32>
    tpu.vector_store %arg21[%swap3A_777], %swap3A_780 {strides = array<i32>} : memref<64xi32, #tpu.memory_space<vmem>>, vector<16xi32>,
    %get3A_781 = arith.constant 192 : index
    %get3A_782 = tpu.vector_load %arg6[%get3A_781] {strides = array<i32>} : memref<256xi32, #tpu.memory_space<vmem>>, vector<16xi32>,
    %get3A_783 = vector.shape_cast %get3A_782 : vector<16xi32> to vector<16xi32>
    %add3A_784 = arith.constant 192 : i32
    %add3A_785 = arith.addi %mul3A_2, %add3A_784 : i32
    %add3A_786 = arith.constant 0 : i32
    %add3A_787 = arith.addi %add3A_785, %add3A_786 : i32
    %add3A_788 = vector.broadcast %add3A_787 : i32 to vector<16xi32>
    %add3A_789 = arith.addi %add3A_788, %iota3A : vector<16xi32>
    %ge3A_790 = arith.constant 91808 : i32
    %ge3A_791 = vector.broadcast %ge3A_790 : i32 to vector<16xi32>
    %ge3A_792 = arith.cmpi sge, %get3A_783, %ge3A_791 : vector<16xi32>
    %sub3A_793 = arith.constant 91808 : i32
    %sub3A_794 = vector.broadcast %sub3A_793 : i32 to vector<16xi32>
    %sub3A_795 = arith.subi %get3A_783, %sub3A_794 : vector<16xi32>
    %select_n3A_796 = arith.select %ge3A_792, %sub3A_795, %add3A_789 : vector<16xi1>, vector<16xi32>
    %swap3A_797 = arith.constant 0 : index
    %swap3A_798 = tpu.vector_load %arg14[%swap3A_797] {strides = array<i32>} : memref<64xi32, #tpu.memory_space<vmem>>, vector<16xi32>,
    %swap3A_799 = vector.shape_cast %swap3A_798 : vector<16xi32> to vector<16xi32>
    %swap3A_800 = vector.shape_cast %select_n3A_796 : vector<16xi32> to vector<16xi32>
    tpu.vector_store %arg14[%swap3A_797], %swap3A_800 {strides = array<i32>} : memref<64xi32, #tpu.memory_space<vmem>>, vector<16xi32>,
    %add3A_801 = arith.constant 8192 : i32
    %add3A_802 = vector.broadcast %add3A_801 : i32 to vector<16xi32>
    %add3A_803 = arith.addi %add3A_789, %add3A_802 : vector<16xi32>
    %select_n3A_804 = arith.select %ge3A_792, %add3A_789, %add3A_803 : vector<16xi1>, vector<16xi32>
    %swap3A_805 = arith.constant 0 : index
    %swap3A_806 = tpu.vector_load %arg22[%swap3A_805] {strides = array<i32>} : memref<64xi32, #tpu.memory_space<vmem>>, vector<16xi32>,
    %swap3A_807 = vector.shape_cast %swap3A_806 : vector<16xi32> to vector<16xi32>
    %swap3A_808 = vector.shape_cast %select_n3A_804 : vector<16xi32> to vector<16xi32>
    tpu.vector_store %arg22[%swap3A_805], %swap3A_808 {strides = array<i32>} : memref<64xi32, #tpu.memory_space<vmem>>, vector<16xi32>,
    %get3A_809 = arith.constant 208 : index
    %get3A_810 = tpu.vector_load %arg6[%get3A_809] {strides = array<i32>} : memref<256xi32, #tpu.memory_space<vmem>>, vector<16xi32>,
    %get3A_811 = vector.shape_cast %get3A_810 : vector<16xi32> to vector<16xi32>
    %add3A_812 = arith.constant 192 : i32
    %add3A_813 = arith.addi %mul3A_2, %add3A_812 : i32
    %add3A_814 = arith.constant 16 : i32
    %add3A_815 = arith.addi %add3A_813, %add3A_814 : i32
    %add3A_816 = vector.broadcast %add3A_815 : i32 to vector<16xi32>
    %add3A_817 = arith.addi %add3A_816, %iota3A : vector<16xi32>
    %ge3A_818 = arith.constant 91808 : i32
    %ge3A_819 = vector.broadcast %ge3A_818 : i32 to vector<16xi32>
    %ge3A_820 = arith.cmpi sge, %get3A_811, %ge3A_819 : vector<16xi32>
    %sub3A_821 = arith.constant 91808 : i32
    %sub3A_822 = vector.broadcast %sub3A_821 : i32 to vector<16xi32>
    %sub3A_823 = arith.subi %get3A_811, %sub3A_822 : vector<16xi32>
    %select_n3A_824 = arith.select %ge3A_820, %sub3A_823, %add3A_817 : vector<16xi1>, vector<16xi32>
    %swap3A_825 = arith.constant 16 : index
    %swap3A_826 = tpu.vector_load %arg14[%swap3A_825] {strides = array<i32>} : memref<64xi32, #tpu.memory_space<vmem>>, vector<16xi32>,
    %swap3A_827 = vector.shape_cast %swap3A_826 : vector<16xi32> to vector<16xi32>
    %swap3A_828 = vector.shape_cast %select_n3A_824 : vector<16xi32> to vector<16xi32>
    tpu.vector_store %arg14[%swap3A_825], %swap3A_828 {strides = array<i32>} : memref<64xi32, #tpu.memory_space<vmem>>, vector<16xi32>,
    %add3A_829 = arith.constant 8192 : i32
    %add3A_830 = vector.broadcast %add3A_829 : i32 to vector<16xi32>
    %add3A_831 = arith.addi %add3A_817, %add3A_830 : vector<16xi32>
    %select_n3A_832 = arith.select %ge3A_820, %add3A_817, %add3A_831 : vector<16xi1>, vector<16xi32>
    %swap3A_833 = arith.constant 16 : index
    %swap3A_834 = tpu.vector_load %arg22[%swap3A_833] {strides = array<i32>} : memref<64xi32, #tpu.memory_space<vmem>>, vector<16xi32>,
    %swap3A_835 = vector.shape_cast %swap3A_834 : vector<16xi32> to vector<16xi32>
    %swap3A_836 = vector.shape_cast %select_n3A_832 : vector<16xi32> to vector<16xi32>
    tpu.vector_store %arg22[%swap3A_833], %swap3A_836 {strides = array<i32>} : memref<64xi32, #tpu.memory_space<vmem>>, vector<16xi32>,
    %get3A_837 = arith.constant 224 : index
    %get3A_838 = tpu.vector_load %arg6[%get3A_837] {strides = array<i32>} : memref<256xi32, #tpu.memory_space<vmem>>, vector<16xi32>,
    %get3A_839 = vector.shape_cast %get3A_838 : vector<16xi32> to vector<16xi32>
    %add3A_840 = arith.constant 192 : i32
    %add3A_841 = arith.addi %mul3A_2, %add3A_840 : i32
    %add3A_842 = arith.constant 32 : i32
    %add3A_843 = arith.addi %add3A_841, %add3A_842 : i32
    %add3A_844 = vector.broadcast %add3A_843 : i32 to vector<16xi32>
    %add3A_845 = arith.addi %add3A_844, %iota3A : vector<16xi32>
    %ge3A_846 = arith.constant 91808 : i32
    %ge3A_847 = vector.broadcast %ge3A_846 : i32 to vector<16xi32>
    %ge3A_848 = arith.cmpi sge, %get3A_839, %ge3A_847 : vector<16xi32>
    %sub3A_849 = arith.constant 91808 : i32
    %sub3A_850 = vector.broadcast %sub3A_849 : i32 to vector<16xi32>
    %sub3A_851 = arith.subi %get3A_839, %sub3A_850 : vector<16xi32>
    %select_n3A_852 = arith.select %ge3A_848, %sub3A_851, %add3A_845 : vector<16xi1>, vector<16xi32>
    %swap3A_853 = arith.constant 32 : index
    %swap3A_854 = tpu.vector_load %arg14[%swap3A_853] {strides = array<i32>} : memref<64xi32, #tpu.memory_space<vmem>>, vector<16xi32>,
    %swap3A_855 = vector.shape_cast %swap3A_854 : vector<16xi32> to vector<16xi32>
    %swap3A_856 = vector.shape_cast %select_n3A_852 : vector<16xi32> to vector<16xi32>
    tpu.vector_store %arg14[%swap3A_853], %swap3A_856 {strides = array<i32>} : memref<64xi32, #tpu.memory_space<vmem>>, vector<16xi32>,
    %add3A_857 = arith.constant 8192 : i32
    %add3A_858 = vector.broadcast %add3A_857 : i32 to vector<16xi32>
    %add3A_859 = arith.addi %add3A_845, %add3A_858 : vector<16xi32>
    %select_n3A_860 = arith.select %ge3A_848, %add3A_845, %add3A_859 : vector<16xi1>, vector<16xi32>
    %swap3A_861 = arith.constant 32 : index
    %swap3A_862 = tpu.vector_load %arg22[%swap3A_861] {strides = array<i32>} : memref<64xi32, #tpu.memory_space<vmem>>, vector<16xi32>,
    %swap3A_863 = vector.shape_cast %swap3A_862 : vector<16xi32> to vector<16xi32>
    %swap3A_864 = vector.shape_cast %select_n3A_860 : vector<16xi32> to vector<16xi32>
    tpu.vector_store %arg22[%swap3A_861], %swap3A_864 {strides = array<i32>} : memref<64xi32, #tpu.memory_space<vmem>>, vector<16xi32>,
    %get3A_865 = arith.constant 240 : index
    %get3A_866 = tpu.vector_load %arg6[%get3A_865] {strides = array<i32>} : memref<256xi32, #tpu.memory_space<vmem>>, vector<16xi32>,
    %get3A_867 = vector.shape_cast %get3A_866 : vector<16xi32> to vector<16xi32>
    %add3A_868 = arith.constant 192 : i32
    %add3A_869 = arith.addi %mul3A_2, %add3A_868 : i32
    %add3A_870 = arith.constant 48 : i32
    %add3A_871 = arith.addi %add3A_869, %add3A_870 : i32
    %add3A_872 = vector.broadcast %add3A_871 : i32 to vector<16xi32>
    %add3A_873 = arith.addi %add3A_872, %iota3A : vector<16xi32>
    %ge3A_874 = arith.constant 91808 : i32
    %ge3A_875 = vector.broadcast %ge3A_874 : i32 to vector<16xi32>
    %ge3A_876 = arith.cmpi sge, %get3A_867, %ge3A_875 : vector<16xi32>
    %sub3A_877 = arith.constant 91808 : i32
    %sub3A_878 = vector.broadcast %sub3A_877 : i32 to vector<16xi32>
    %sub3A_879 = arith.subi %get3A_867, %sub3A_878 : vector<16xi32>
    %select_n3A_880 = arith.select %ge3A_876, %sub3A_879, %add3A_873 : vector<16xi1>, vector<16xi32>
    %swap3A_881 = arith.constant 48 : index
    %swap3A_882 = tpu.vector_load %arg14[%swap3A_881] {strides = array<i32>} : memref<64xi32, #tpu.memory_space<vmem>>, vector<16xi32>,
    %swap3A_883 = vector.shape_cast %swap3A_882 : vector<16xi32> to vector<16xi32>
    %swap3A_884 = vector.shape_cast %select_n3A_880 : vector<16xi32> to vector<16xi32>
    tpu.vector_store %arg14[%swap3A_881], %swap3A_884 {strides = array<i32>} : memref<64xi32, #tpu.memory_space<vmem>>, vector<16xi32>,
    %add3A_885 = arith.constant 8192 : i32
    %add3A_886 = vector.broadcast %add3A_885 : i32 to vector<16xi32>
    %add3A_887 = arith.addi %add3A_873, %add3A_886 : vector<16xi32>
    %select_n3A_888 = arith.select %ge3A_876, %add3A_873, %add3A_887 : vector<16xi1>, vector<16xi32>
    %swap3A_889 = arith.constant 48 : index
    %swap3A_890 = tpu.vector_load %arg22[%swap3A_889] {strides = array<i32>} : memref<64xi32, #tpu.memory_space<vmem>>, vector<16xi32>,
    %swap3A_891 = vector.shape_cast %swap3A_890 : vector<16xi32> to vector<16xi32>
    %swap3A_892 = vector.shape_cast %select_n3A_888 : vector<16xi32> to vector<16xi32>
    tpu.vector_store %arg22[%swap3A_889], %swap3A_892 {strides = array<i32>} : memref<64xi32, #tpu.memory_space<vmem>>, vector<16xi32>,
    %dma_start3A = arith.constant 0 : i32
    %dma_start3A_893 = arith.constant 0 : i32
    %dma_start3A_894 = tpu.memref_slice %arg2[%dma_start3A, %dma_start3A_893] : memref<100000x256xf32, #tpu.memory_space<hbm>> -> memref<100000x256xf32, #tpu.memory_space<hbm>>
    tpu.enqueue_indirect_dma source(%dma_start3A_894 : memref<100000x256xf32, #tpu.memory_space<hbm>>) target(%arg23 : memref<64x256xf32, #tpu.memory_space<vmem>>) offsets(%arg7 : memref<64xi32, #tpu.memory_space<vmem>>) semaphore(%arg30 : memref<!tpu.dma_semaphore, #tpu.memory_space<semaphore_mem>>)
    %dma_start3A_895 = arith.constant 0 : i32
    %dma_start3A_896 = arith.constant 0 : i32
    %dma_start3A_897 = tpu.memref_slice %arg2[%dma_start3A_895, %dma_start3A_896] : memref<100000x256xf32, #tpu.memory_space<hbm>> -> memref<100000x256xf32, #tpu.memory_space<hbm>>
    tpu.enqueue_indirect_dma source(%dma_start3A_897 : memref<100000x256xf32, #tpu.memory_space<hbm>>) target(%arg24 : memref<64x256xf32, #tpu.memory_space<vmem>>) offsets(%arg8 : memref<64xi32, #tpu.memory_space<vmem>>) semaphore(%arg31 : memref<!tpu.dma_semaphore, #tpu.memory_space<semaphore_mem>>)
    %dma_start3A_898 = arith.constant 0 : i32
    %dma_start3A_899 = arith.constant 0 : i32
    %dma_start3A_900 = tpu.memref_slice %arg2[%dma_start3A_898, %dma_start3A_899] : memref<100000x256xf32, #tpu.memory_space<hbm>> -> memref<100000x256xf32, #tpu.memory_space<hbm>>
    tpu.enqueue_indirect_dma source(%dma_start3A_900 : memref<100000x256xf32, #tpu.memory_space<hbm>>) target(%arg25 : memref<64x256xf32, #tpu.memory_space<vmem>>) offsets(%arg9 : memref<64xi32, #tpu.memory_space<vmem>>) semaphore(%arg32 : memref<!tpu.dma_semaphore, #tpu.memory_space<semaphore_mem>>)
    %dma_start3A_901 = arith.constant 0 : i32
    %dma_start3A_902 = arith.constant 0 : i32
    %dma_start3A_903 = tpu.memref_slice %arg2[%dma_start3A_901, %dma_start3A_902] : memref<100000x256xf32, #tpu.memory_space<hbm>> -> memref<100000x256xf32, #tpu.memory_space<hbm>>
    tpu.enqueue_indirect_dma source(%dma_start3A_903 : memref<100000x256xf32, #tpu.memory_space<hbm>>) target(%arg26 : memref<64x256xf32, #tpu.memory_space<vmem>>) offsets(%arg10 : memref<64xi32, #tpu.memory_space<vmem>>) semaphore(%arg33 : memref<!tpu.dma_semaphore, #tpu.memory_space<semaphore_mem>>)
    %dma_start3A_904 = arith.constant 0 : i32
    %dma_start3A_905 = arith.constant 0 : i32
    %dma_start3A_906 = tpu.memref_slice %arg3[%dma_start3A_904, %dma_start3A_905] : memref<8192x256xf32, #tpu.memory_space<hbm>> -> memref<8192x256xf32, #tpu.memory_space<hbm>>
    tpu.enqueue_indirect_dma source(%dma_start3A_906 : memref<8192x256xf32, #tpu.memory_space<hbm>>) target(%arg27 : memref<64x256xf32, #tpu.memory_space<vmem>>) offsets(%arg11 : memref<64xi32, #tpu.memory_space<vmem>>) semaphore(%arg34 : memref<!tpu.dma_semaphore, #tpu.memory_space<semaphore_mem>>)
    %dma_wait3A = arith.constant 0 : i32
    %dma_wait3A_907 = arith.constant 0 : i32
    %dma_wait3A_908 = tpu.memref_slice %arg2[%dma_wait3A, %dma_wait3A_907] : memref<100000x256xf32, #tpu.memory_space<hbm>> -> memref<100000x256xf32, #tpu.memory_space<hbm>>
    tpu.wait_indirect_dma semaphore(%arg30 : memref<!tpu.dma_semaphore, #tpu.memory_space<semaphore_mem>>) src(%dma_wait3A_908 : memref<100000x256xf32, #tpu.memory_space<hbm>>) dst(%arg23 : memref<64x256xf32, #tpu.memory_space<vmem>>)
    %dma_start3A_909 = arith.constant 0 : i32
    %dma_start3A_910 = arith.constant 0 : i32
    %dma_start3A_911 = tpu.memref_slice %arg5[%dma_start3A_909, %dma_start3A_910] : memref<16384x256xf32, #tpu.memory_space<hbm>> -> memref<16384x256xf32, #tpu.memory_space<hbm>>
    tpu.enqueue_indirect_dma source(%arg23 : memref<64x256xf32, #tpu.memory_space<vmem>>) target(%dma_start3A_911 : memref<16384x256xf32, #tpu.memory_space<hbm>>) offsets(%arg15 : memref<64xi32, #tpu.memory_space<vmem>>) semaphore(%arg37 : memref<!tpu.dma_semaphore, #tpu.memory_space<semaphore_mem>>)
    %dma_start3A_912 = arith.constant 0 : i32
    %dma_start3A_913 = arith.constant 0 : i32
    %dma_start3A_914 = tpu.memref_slice %arg3[%dma_start3A_912, %dma_start3A_913] : memref<8192x256xf32, #tpu.memory_space<hbm>> -> memref<8192x256xf32, #tpu.memory_space<hbm>>
    tpu.enqueue_indirect_dma source(%dma_start3A_914 : memref<8192x256xf32, #tpu.memory_space<hbm>>) target(%arg28 : memref<64x256xf32, #tpu.memory_space<vmem>>) offsets(%arg12 : memref<64xi32, #tpu.memory_space<vmem>>) semaphore(%arg35 : memref<!tpu.dma_semaphore, #tpu.memory_space<semaphore_mem>>)
    %dma_wait3A_915 = arith.constant 0 : i32
    %dma_wait3A_916 = arith.constant 0 : i32
    %dma_wait3A_917 = tpu.memref_slice %arg2[%dma_wait3A_915, %dma_wait3A_916] : memref<100000x256xf32, #tpu.memory_space<hbm>> -> memref<100000x256xf32, #tpu.memory_space<hbm>>
    tpu.wait_indirect_dma semaphore(%arg31 : memref<!tpu.dma_semaphore, #tpu.memory_space<semaphore_mem>>) src(%dma_wait3A_917 : memref<100000x256xf32, #tpu.memory_space<hbm>>) dst(%arg24 : memref<64x256xf32, #tpu.memory_space<vmem>>)
    %dma_start3A_918 = arith.constant 0 : i32
    %dma_start3A_919 = arith.constant 0 : i32
    %dma_start3A_920 = tpu.memref_slice %arg5[%dma_start3A_918, %dma_start3A_919] : memref<16384x256xf32, #tpu.memory_space<hbm>> -> memref<16384x256xf32, #tpu.memory_space<hbm>>
    tpu.enqueue_indirect_dma source(%arg24 : memref<64x256xf32, #tpu.memory_space<vmem>>) target(%dma_start3A_920 : memref<16384x256xf32, #tpu.memory_space<hbm>>) offsets(%arg16 : memref<64xi32, #tpu.memory_space<vmem>>) semaphore(%arg38 : memref<!tpu.dma_semaphore, #tpu.memory_space<semaphore_mem>>)
    %dma_start3A_921 = arith.constant 0 : i32
    %dma_start3A_922 = arith.constant 0 : i32
    %dma_start3A_923 = tpu.memref_slice %arg3[%dma_start3A_921, %dma_start3A_922] : memref<8192x256xf32, #tpu.memory_space<hbm>> -> memref<8192x256xf32, #tpu.memory_space<hbm>>
    tpu.enqueue_indirect_dma source(%dma_start3A_923 : memref<8192x256xf32, #tpu.memory_space<hbm>>) target(%arg29 : memref<64x256xf32, #tpu.memory_space<vmem>>) offsets(%arg13 : memref<64xi32, #tpu.memory_space<vmem>>) semaphore(%arg36 : memref<!tpu.dma_semaphore, #tpu.memory_space<semaphore_mem>>)
    %dma_wait3A_924 = arith.constant 0 : i32
    %dma_wait3A_925 = arith.constant 0 : i32
    %dma_wait3A_926 = tpu.memref_slice %arg2[%dma_wait3A_924, %dma_wait3A_925] : memref<100000x256xf32, #tpu.memory_space<hbm>> -> memref<100000x256xf32, #tpu.memory_space<hbm>>
    tpu.wait_indirect_dma semaphore(%arg32 : memref<!tpu.dma_semaphore, #tpu.memory_space<semaphore_mem>>) src(%dma_wait3A_926 : memref<100000x256xf32, #tpu.memory_space<hbm>>) dst(%arg25 : memref<64x256xf32, #tpu.memory_space<vmem>>)
    %dma_start3A_927 = arith.constant 0 : i32
    %dma_start3A_928 = arith.constant 0 : i32
    %dma_start3A_929 = tpu.memref_slice %arg5[%dma_start3A_927, %dma_start3A_928] : memref<16384x256xf32, #tpu.memory_space<hbm>> -> memref<16384x256xf32, #tpu.memory_space<hbm>>
    tpu.enqueue_indirect_dma source(%arg25 : memref<64x256xf32, #tpu.memory_space<vmem>>) target(%dma_start3A_929 : memref<16384x256xf32, #tpu.memory_space<hbm>>) offsets(%arg17 : memref<64xi32, #tpu.memory_space<vmem>>) semaphore(%arg39 : memref<!tpu.dma_semaphore, #tpu.memory_space<semaphore_mem>>)
    %dma_wait3A_930 = arith.constant 0 : i32
    %dma_wait3A_931 = arith.constant 0 : i32
    %dma_wait3A_932 = tpu.memref_slice %arg5[%dma_wait3A_930, %dma_wait3A_931] : memref<16384x256xf32, #tpu.memory_space<hbm>> -> memref<16384x256xf32, #tpu.memory_space<hbm>>
    tpu.wait_indirect_dma semaphore(%arg37 : memref<!tpu.dma_semaphore, #tpu.memory_space<semaphore_mem>>) src(%arg23 : memref<64x256xf32, #tpu.memory_space<vmem>>) dst(%dma_wait3A_932 : memref<16384x256xf32, #tpu.memory_space<hbm>>)
    %dma_start3A_933 = arith.constant 0 : i32
    %dma_start3A_934 = arith.constant 0 : i32
    %dma_start3A_935 = tpu.memref_slice %arg3[%dma_start3A_933, %dma_start3A_934] : memref<8192x256xf32, #tpu.memory_space<hbm>> -> memref<8192x256xf32, #tpu.memory_space<hbm>>
    tpu.enqueue_indirect_dma source(%dma_start3A_935 : memref<8192x256xf32, #tpu.memory_space<hbm>>) target(%arg23 : memref<64x256xf32, #tpu.memory_space<vmem>>) offsets(%arg14 : memref<64xi32, #tpu.memory_space<vmem>>) semaphore(%arg30 : memref<!tpu.dma_semaphore, #tpu.memory_space<semaphore_mem>>)
    %dma_wait3A_936 = arith.constant 0 : i32
    %dma_wait3A_937 = arith.constant 0 : i32
    %dma_wait3A_938 = tpu.memref_slice %arg2[%dma_wait3A_936, %dma_wait3A_937] : memref<100000x256xf32, #tpu.memory_space<hbm>> -> memref<100000x256xf32, #tpu.memory_space<hbm>>
    tpu.wait_indirect_dma semaphore(%arg33 : memref<!tpu.dma_semaphore, #tpu.memory_space<semaphore_mem>>) src(%dma_wait3A_938 : memref<100000x256xf32, #tpu.memory_space<hbm>>) dst(%arg26 : memref<64x256xf32, #tpu.memory_space<vmem>>)
    %dma_start3A_939 = arith.constant 0 : i32
    %dma_start3A_940 = arith.constant 0 : i32
    %dma_start3A_941 = tpu.memref_slice %arg5[%dma_start3A_939, %dma_start3A_940] : memref<16384x256xf32, #tpu.memory_space<hbm>> -> memref<16384x256xf32, #tpu.memory_space<hbm>>
    tpu.enqueue_indirect_dma source(%arg26 : memref<64x256xf32, #tpu.memory_space<vmem>>) target(%dma_start3A_941 : memref<16384x256xf32, #tpu.memory_space<hbm>>) offsets(%arg18 : memref<64xi32, #tpu.memory_space<vmem>>) semaphore(%arg40 : memref<!tpu.dma_semaphore, #tpu.memory_space<semaphore_mem>>)
    %dma_wait3A_942 = arith.constant 0 : i32
    %dma_wait3A_943 = arith.constant 0 : i32
    %dma_wait3A_944 = tpu.memref_slice %arg3[%dma_wait3A_942, %dma_wait3A_943] : memref<8192x256xf32, #tpu.memory_space<hbm>> -> memref<8192x256xf32, #tpu.memory_space<hbm>>
    tpu.wait_indirect_dma semaphore(%arg34 : memref<!tpu.dma_semaphore, #tpu.memory_space<semaphore_mem>>) src(%dma_wait3A_944 : memref<8192x256xf32, #tpu.memory_space<hbm>>) dst(%arg27 : memref<64x256xf32, #tpu.memory_space<vmem>>)
    %dma_start3A_945 = arith.constant 0 : i32
    %dma_start3A_946 = arith.constant 0 : i32
    %dma_start3A_947 = tpu.memref_slice %arg5[%dma_start3A_945, %dma_start3A_946] : memref<16384x256xf32, #tpu.memory_space<hbm>> -> memref<16384x256xf32, #tpu.memory_space<hbm>>
    tpu.enqueue_indirect_dma source(%arg27 : memref<64x256xf32, #tpu.memory_space<vmem>>) target(%dma_start3A_947 : memref<16384x256xf32, #tpu.memory_space<hbm>>) offsets(%arg19 : memref<64xi32, #tpu.memory_space<vmem>>) semaphore(%arg41 : memref<!tpu.dma_semaphore, #tpu.memory_space<semaphore_mem>>)
    %dma_wait3A_948 = arith.constant 0 : i32
    %dma_wait3A_949 = arith.constant 0 : i32
    %dma_wait3A_950 = tpu.memref_slice %arg3[%dma_wait3A_948, %dma_wait3A_949] : memref<8192x256xf32, #tpu.memory_space<hbm>> -> memref<8192x256xf32, #tpu.memory_space<hbm>>
    tpu.wait_indirect_dma semaphore(%arg35 : memref<!tpu.dma_semaphore, #tpu.memory_space<semaphore_mem>>) src(%dma_wait3A_950 : memref<8192x256xf32, #tpu.memory_space<hbm>>) dst(%arg28 : memref<64x256xf32, #tpu.memory_space<vmem>>)
    %dma_start3A_951 = arith.constant 0 : i32
    %dma_start3A_952 = arith.constant 0 : i32
    %dma_start3A_953 = tpu.memref_slice %arg5[%dma_start3A_951, %dma_start3A_952] : memref<16384x256xf32, #tpu.memory_space<hbm>> -> memref<16384x256xf32, #tpu.memory_space<hbm>>
    tpu.enqueue_indirect_dma source(%arg28 : memref<64x256xf32, #tpu.memory_space<vmem>>) target(%dma_start3A_953 : memref<16384x256xf32, #tpu.memory_space<hbm>>) offsets(%arg20 : memref<64xi32, #tpu.memory_space<vmem>>) semaphore(%arg42 : memref<!tpu.dma_semaphore, #tpu.memory_space<semaphore_mem>>)
    %dma_wait3A_954 = arith.constant 0 : i32
    %dma_wait3A_955 = arith.constant 0 : i32
    %dma_wait3A_956 = tpu.memref_slice %arg3[%dma_wait3A_954, %dma_wait3A_955] : memref<8192x256xf32, #tpu.memory_space<hbm>> -> memref<8192x256xf32, #tpu.memory_space<hbm>>
    tpu.wait_indirect_dma semaphore(%arg36 : memref<!tpu.dma_semaphore, #tpu.memory_space<semaphore_mem>>) src(%dma_wait3A_956 : memref<8192x256xf32, #tpu.memory_space<hbm>>) dst(%arg29 : memref<64x256xf32, #tpu.memory_space<vmem>>)
    %dma_start3A_957 = arith.constant 0 : i32
    %dma_start3A_958 = arith.constant 0 : i32
    %dma_start3A_959 = tpu.memref_slice %arg5[%dma_start3A_957, %dma_start3A_958] : memref<16384x256xf32, #tpu.memory_space<hbm>> -> memref<16384x256xf32, #tpu.memory_space<hbm>>
    tpu.enqueue_indirect_dma source(%arg29 : memref<64x256xf32, #tpu.memory_space<vmem>>) target(%dma_start3A_959 : memref<16384x256xf32, #tpu.memory_space<hbm>>) offsets(%arg21 : memref<64xi32, #tpu.memory_space<vmem>>) semaphore(%arg43 : memref<!tpu.dma_semaphore, #tpu.memory_space<semaphore_mem>>)
    %dma_wait3A_960 = arith.constant 0 : i32
    %dma_wait3A_961 = arith.constant 0 : i32
    %dma_wait3A_962 = tpu.memref_slice %arg3[%dma_wait3A_960, %dma_wait3A_961] : memref<8192x256xf32, #tpu.memory_space<hbm>> -> memref<8192x256xf32, #tpu.memory_space<hbm>>
    tpu.wait_indirect_dma semaphore(%arg30 : memref<!tpu.dma_semaphore, #tpu.memory_space<semaphore_mem>>) src(%dma_wait3A_962 : memref<8192x256xf32, #tpu.memory_space<hbm>>) dst(%arg23 : memref<64x256xf32, #tpu.memory_space<vmem>>)
    %dma_start3A_963 = arith.constant 0 : i32
    %dma_start3A_964 = arith.constant 0 : i32
    %dma_start3A_965 = tpu.memref_slice %arg5[%dma_start3A_963, %dma_start3A_964] : memref<16384x256xf32, #tpu.memory_space<hbm>> -> memref<16384x256xf32, #tpu.memory_space<hbm>>
    tpu.enqueue_indirect_dma source(%arg23 : memref<64x256xf32, #tpu.memory_space<vmem>>) target(%dma_start3A_965 : memref<16384x256xf32, #tpu.memory_space<hbm>>) offsets(%arg22 : memref<64xi32, #tpu.memory_space<vmem>>) semaphore(%arg37 : memref<!tpu.dma_semaphore, #tpu.memory_space<semaphore_mem>>)
    %dma_wait3A_966 = arith.constant 0 : i32
    %dma_wait3A_967 = arith.constant 0 : i32
    %dma_wait3A_968 = tpu.memref_slice %arg5[%dma_wait3A_966, %dma_wait3A_967] : memref<16384x256xf32, #tpu.memory_space<hbm>> -> memref<16384x256xf32, #tpu.memory_space<hbm>>
    tpu.wait_indirect_dma semaphore(%arg38 : memref<!tpu.dma_semaphore, #tpu.memory_space<semaphore_mem>>) src(%arg24 : memref<64x256xf32, #tpu.memory_space<vmem>>) dst(%dma_wait3A_968 : memref<16384x256xf32, #tpu.memory_space<hbm>>)
    %dma_wait3A_969 = arith.constant 0 : i32
    %dma_wait3A_970 = arith.constant 0 : i32
    %dma_wait3A_971 = tpu.memref_slice %arg5[%dma_wait3A_969, %dma_wait3A_970] : memref<16384x256xf32, #tpu.memory_space<hbm>> -> memref<16384x256xf32, #tpu.memory_space<hbm>>
    tpu.wait_indirect_dma semaphore(%arg39 : memref<!tpu.dma_semaphore, #tpu.memory_space<semaphore_mem>>) src(%arg25 : memref<64x256xf32, #tpu.memory_space<vmem>>) dst(%dma_wait3A_971 : memref<16384x256xf32, #tpu.memory_space<hbm>>)
    %dma_wait3A_972 = arith.constant 0 : i32
    %dma_wait3A_973 = arith.constant 0 : i32
    %dma_wait3A_974 = tpu.memref_slice %arg5[%dma_wait3A_972, %dma_wait3A_973] : memref<16384x256xf32, #tpu.memory_space<hbm>> -> memref<16384x256xf32, #tpu.memory_space<hbm>>
    tpu.wait_indirect_dma semaphore(%arg40 : memref<!tpu.dma_semaphore, #tpu.memory_space<semaphore_mem>>) src(%arg26 : memref<64x256xf32, #tpu.memory_space<vmem>>) dst(%dma_wait3A_974 : memref<16384x256xf32, #tpu.memory_space<hbm>>)
    %dma_wait3A_975 = arith.constant 0 : i32
    %dma_wait3A_976 = arith.constant 0 : i32
    %dma_wait3A_977 = tpu.memref_slice %arg5[%dma_wait3A_975, %dma_wait3A_976] : memref<16384x256xf32, #tpu.memory_space<hbm>> -> memref<16384x256xf32, #tpu.memory_space<hbm>>
    tpu.wait_indirect_dma semaphore(%arg41 : memref<!tpu.dma_semaphore, #tpu.memory_space<semaphore_mem>>) src(%arg27 : memref<64x256xf32, #tpu.memory_space<vmem>>) dst(%dma_wait3A_977 : memref<16384x256xf32, #tpu.memory_space<hbm>>)
    %dma_wait3A_978 = arith.constant 0 : i32
    %dma_wait3A_979 = arith.constant 0 : i32
    %dma_wait3A_980 = tpu.memref_slice %arg5[%dma_wait3A_978, %dma_wait3A_979] : memref<16384x256xf32, #tpu.memory_space<hbm>> -> memref<16384x256xf32, #tpu.memory_space<hbm>>
    tpu.wait_indirect_dma semaphore(%arg42 : memref<!tpu.dma_semaphore, #tpu.memory_space<semaphore_mem>>) src(%arg28 : memref<64x256xf32, #tpu.memory_space<vmem>>) dst(%dma_wait3A_980 : memref<16384x256xf32, #tpu.memory_space<hbm>>)
    %dma_wait3A_981 = arith.constant 0 : i32
    %dma_wait3A_982 = arith.constant 0 : i32
    %dma_wait3A_983 = tpu.memref_slice %arg5[%dma_wait3A_981, %dma_wait3A_982] : memref<16384x256xf32, #tpu.memory_space<hbm>> -> memref<16384x256xf32, #tpu.memory_space<hbm>>
    tpu.wait_indirect_dma semaphore(%arg43 : memref<!tpu.dma_semaphore, #tpu.memory_space<semaphore_mem>>) src(%arg29 : memref<64x256xf32, #tpu.memory_space<vmem>>) dst(%dma_wait3A_983 : memref<16384x256xf32, #tpu.memory_space<hbm>>)
    %dma_wait3A_984 = arith.constant 0 : i32
    %dma_wait3A_985 = arith.constant 0 : i32
    %dma_wait3A_986 = tpu.memref_slice %arg5[%dma_wait3A_984, %dma_wait3A_985] : memref<16384x256xf32, #tpu.memory_space<hbm>> -> memref<16384x256xf32, #tpu.memory_space<hbm>>
    tpu.wait_indirect_dma semaphore(%arg37 : memref<!tpu.dma_semaphore, #tpu.memory_space<semaphore_mem>>) src(%arg23 : memref<64x256xf32, #tpu.memory_space<vmem>>) dst(%dma_wait3A_986 : memref<16384x256xf32, #tpu.memory_space<hbm>>)
    return
  }
}

</mosaic_0001>

<sc_bundles>
// kernel: kernel.3.cloned.1.call-start
scs
__scs_entry_jumppad:
0x0: {  	(pc) =	sbr.rel $0x88, $3  }
0x1: {  	(tag) =	ssettag $0x0;
	lr =	simm.s32 $0x1  }
0x2: {  	[smem:$0x3F9E] =	sst lr;
	_ =	strace $0xD0000000  }
0x3: {  	_ = 	snop  }
0x4: {  	_ = 	snop  }
0x5: {  	_ = 	snop  }
0x6: {  	_ = 	snop  }
0x7: {  	_ = 	snop  }
__scs_overlays_trampoline_lowered:
0x8: {  	[smem:$0x3FAD] =	sst s0  }
0x9: {  	[smem:$0x3FAE] =	sst s1  }
0xa: {  	[smem:$0x3FAF] =	sst s2  }
0xb: {  	[smem:$0x3FB0] =	sst s3  }
0xc: {  	[smem:$0x3FB1] =	sst s4  }
0xd: {  	[smem:$0x3FB2] =	sst s5  }
0xe: {  	[smem:$0x3FB3] =	sst s6  }
0xf: {  	[smem:$0x3FB4] =	sst s7  }
0x10: {  	[smem:$0x3FB5] =	sst s8  }
0x11: {  	[smem:$0x3FB6] =	sst s9;
	s0 =	simm.s32 @!p0 $0x0  }
0x12: {  	s1 =	sld [smem:$0x3F9C];
	s0 =	simm.s32 @p0 $0x1  }
0x13: {  	[smem:$0x3FB7] =	sst s0;
	s0 =	simm.s32 @!p1 $0x0  }
0x14: {  	s2 =	sld [smem:$0x3F9B];
	s0 =	simm.s32 @p1 $0x1  }
0x15: {  	[smem:$0x3FB8] =	sst s0;
	s0 =	simm.s32 @!p2 $0x0  }
0x16: {  	s3 =	sld [smem:$0x3FDB];
	s0 =	simm.s32 @p2 $0x1  }
0x17: {  	s4 =	simm.s32 $0x1BF5;
	[smem:$0x3FBA] =	sst s0  }
0x18: {  	s0 =	sld [smem:$0x3F9D];
	_ =	swait.ge [sflag:s4], $0x0  }
0x19: {  	s7 =	sld [smem:$0x3F9E]  }
0x1a: {  	s8 =	sadd.s32 $0xFFFFE003, lr  }
0x1b: {  	s9 =	sadd.s32 $0xFFFFFEF7, lr;
	s5 =	simm.s32 $0xFFFFFFFF;
	p2 =	slt.u32 s8, $0xFFFFF086  }
0x1c: {  	p1 =	slt.u32 s9, $0xF7A;
	s5 =	simm.s32 @!p2 $0x0  }
0x1d: {  	s5 =	simm.s32 @p1 $0x1;
	p0 =	seq.s32 s7, s2  }
0x1e: {  	s7 =	smul.u32 @!p0 $0xF7A, s2;
	p2 =	seq.s32 @!p0 s5, $0x0  }
0x1f: {  	s9 =	smul.u32 $0xF7A, s1;
	s8 =	simm.s32 @!p0 $0x1BF5;
	p2 =	por !p2, p0  }
0x20: {  	[sflag:s8] =	ssyncset.s32 @!p0 $0xFFFFF086;
	s6 =	sadd.s32 @!p0 s3, s7;
	s7 =	simm.s32 @!p0 $0x108  }
0x21: {  	s3 =	sadd.s32 s3, s9;
	s6 =	sadd.s32 @!p0 $0x88, s6;
	s7 =	simm.s32 @p2 $0x1082  }
0x22: {  	[simem:s7], [sflag:s8] =	dma.local @!p0 [hbm:s6], $0xF7A  }
0x23: {  	s9 =	sor.u32 $0xD0000000, s2;
	s6 =	simm.s32 $0x108;
	_ =	swait.ge @!p0 [sflag:s8], $0x0  }
0x24: {  	s3 =	sadd.s32 $0x88, s3;
	s6 =	simm.s32 @!p1 $0x1082;
	[sflag:s4] =	ssyncset.s32 $0xFFFFF086  }
0x25: {  	[simem:s6], [sflag:s4] =	dma.local [hbm:s3], $0xF7A  }
0x26: {  	[smem:$0x3F9E] =	sst s1;
	(tag) =	ssettag s2;
	_ =	strace s9  }
0x27: {  	s1 =	sld [smem:$0x3FAE]  }
0x28: {  	s2 =	sld [smem:$0x3FAF]  }
0x29: {  	s4 =	sld [smem:$0x3FB1]  }
0x2a: {  	p0 =	seq.s32 s5, $0x0;
	s5 =	sld [smem:$0x3FB2]  }
0x2b: {  	s6 =	sld [smem:$0x3FB3]  }
0x2c: {  	s7 =	sld [smem:$0x3FB4]  }
0x2d: {  	s3 =	simm.s32 $0x108;
	s8 =	sld [smem:$0x3FB5]  }
0x2e: {  	s3 =	simm.s32 @!p0 $0x1082;
	s9 =	sld [smem:$0x3FB6]  }
0x2f: {  	lr =	sadd.s32 s0, s3;
	s0 =	sld [smem:$0x3FAD]  }
0x30: {  	s3 =	sld [smem:$0x3FB0]  }
0x31: {  	[smem:$0x3FB9] =	sst s10  }
0x32: {  	s10 =	sld [smem:$0x3FB7];
	_ =	sdelay $0x3  }
0x33: {  	p0 =	seq.s32 s10, $0x1;
	s10 =	sld [smem:$0x3FB9];
	_ =	sdelay $0x3  }
0x34: {  	[smem:$0x3FB9] =	sst s10  }
0x35: {  	s10 =	sld [smem:$0x3FB8];
	_ =	sdelay $0x3  }
0x36: {  	p1 =	seq.s32 s10, $0x1;
	s10 =	sld [smem:$0x3FB9];
	_ =	sdelay $0x3  }
0x37: {  	[smem:$0x3FB9] =	sst s10  }
0x38: {  	s10 =	sld [smem:$0x3FBA]  }
0x39: {  	_ = 	snop;
	(pc) =	sbr.ind lr, $3  }
0x3a: {  	_ = 	snop  }
0x3b: {  	_ = 	snop  }
0x3c: {  	p2 =	seq.s32 s10, $0x1;
	s10 =	sld [smem:$0x3FB9]  }
0x3d: {  	_ =	shalt  }
0x3e: {  	_ =	shalt  }
0x3f: {  	_ =	shalt  }
0x40: {  	_ =	shalt  }
0x41: {  	_ =	shalt  }
0x42: {  	_ =	shalt  }
0x43: {  	_ =	shalt  }
0x44: {  	_ =	shalt  }
0x45: {  	_ =	shalt  }
0x46: {  	_ =	shalt  }
0x47: {  	_ =	shalt  }
0x48: {  	_ =	shalt  }
0x49: {  	_ =	shalt  }
0x4a: {  	_ =	shalt  }
0x4b: {  	_ =	shalt  }
0x4c: {  	_ =	shalt  }
0x4d: {  	_ =	shalt  }
0x4e: {  	_ =	shalt  }
0x4f: {  	_ =	shalt  }
0x50: {  	_ =	shalt  }
0x51: {  	_ =	shalt  }
0x52: {  	_ =	shalt  }
0x53: {  	_ =	shalt  }
0x54: {  	_ =	shalt  }
0x55: {  	_ =	shalt  }
0x56: {  	_ =	shalt  }
0x57: {  	_ =	shalt  }
0x58: {  	_ =	shalt  }
0x59: {  	_ =	shalt  }
0x5a: {  	_ =	shalt  }
0x5b: {  	_ =	shalt  }
0x5c: {  	_ =	shalt  }
0x5d: {  	_ =	shalt  }
0x5e: {  	_ =	shalt  }
0x5f: {  	_ =	shalt  }
0x60: {  	_ =	shalt  }
0x61: {  	_ =	shalt  }
0x62: {  	_ =	shalt  }
0x63: {  	_ =	shalt  }
0x64: {  	_ =	shalt  }
0x65: {  	_ =	shalt  }
0x66: {  	_ =	shalt  }
0x67: {  	_ =	shalt  }
0x68: {  	_ =	shalt  }
0x69: {  	_ =	shalt  }
0x6a: {  	_ =	shalt  }
0x6b: {  	_ =	shalt  }
0x6c: {  	_ =	shalt  }
0x6d: {  	_ =	shalt  }
0x6e: {  	_ =	shalt  }
0x6f: {  	_ =	shalt  }
0x70: {  	_ =	shalt  }
0x71: {  	_ =	shalt  }
0x72: {  	_ =	shalt  }
0x73: {  	_ =	shalt  }
0x74: {  	_ =	shalt  }
0x75: {  	_ =	shalt  }
0x76: {  	_ =	shalt  }
0x77: {  	_ =	shalt  }
0x78: {  	_ =	shalt  }
0x79: {  	_ =	shalt  }
0x7a: {  	_ =	shalt  }
0x7b: {  	_ =	shalt  }
0x7c: {  	_ =	shalt  }
0x7d: {  	_ =	shalt  }
0x7e: {  	_ =	shalt  }
0x7f: {  	_ =	shalt  }
0x80: {  	_ =	shalt  }
0x81: {  	_ =	shalt  }
0x82: {  	_ =	shalt  }
0x83: {  	_ =	shalt  }
0x84: {  	_ =	shalt  }
0x85: {  	_ =	shalt  }
0x86: {  	_ =	shalt  }
0x87: {  	_ =	shalt  }
.Lfunc_end0:
.L_simem_size_0:
called_computation_lowered:
.L_overlay_start_0:
0x88: {  	s2 =	sld [smem:$0x3FD9]  }
0x89: {  	s3 =	sld [smem:$0x3FFE];
	_ =	sdelay $0x1  }
0x8a: {  	s1 =	srdreg.scid  }
0x8b: {  	s0 =	sand.u32 $0x1, s1  }
0x8c: {  	s17 =	sshll.u32 s0, $0xA;
	s2 =	sadd.s32 s3, s2  }
0x8d: {  	s2 =	sadd.s32 s2, s17  }
0x8e: {  	[smem:$0x3FC5] =	sst s2  }
0x8f: {  	_ = 	snop  }
0x90: {  	s2 =	sld [smem:$0x3FC9]  }
0x91: {  	s18 =	sld [smem:$0x3FC8]  }
0x92: {  	s4 =	sld [smem:$0x3FC7];
	(tm) =	ssettm $0x1  }
0x93: {  	s5 =	sld [smem:$0x3FFB];
	_ =	sdelay $0x3  }
0x94: {  	_ =	strace s5  }
0x95: {  	s5 =	sld [smem:$0x3FFC];
	_ =	sdelay $0x3  }
0x96: {  	_ =	strace s5  }
0x97: {  	s5 =	sld [smem:$0x3FFD];
	_ =	sdelay $0x3  }
0x98: {  	_ =	strace s5  }
0x99: {  	_ =	strace $0x8FFFFFFF  }
0x9a: {  	s19 =	sld [smem:$0x3FDB];
	_ =	sdelay $0x1  }
0x9b: {  	s6 =	simm.s32 $_scs_section_size  }
0x9c: {  	s7 =	simm.s32 $_size__tile_overlayer_lowered;
	s8 =	simm.s32 $_tile_overlayer_lowered  }
0x9d: {  	s22 =	simm.s32 $0x1BFF;
	s21 =	sshll.u32 s8, $0x1;
	s5 =	sadd.s32 s6, s19  }
0x9e: {  	s9 =	simm.s32 $0x0;
	s20 =	sshll.u32 s7, $0x1;
	s7 =	sadd.s32 s21, s5  }
0x9f: {  	[timem:s9], [sflag:s22] =	dma.local [hbm:s7], s20  }
0xa0: {  	_ =	swait.ge [sflag:s22], s20  }
0xa1: {  	s6 =	ssub.s32 $0x0, s20;
	[sflag:s22] =	ssyncset.done $0x0  }
0xa2: {  	[sflag:s22] =	ssyncadd.s32 s6;
	_ =	sdelay $0x1  }
0xa3: {  	s23 =	simm.s32 $0x1B8B  }
0xa4: {  	_ =	swait.ge [sflag:s23], $0x1  }
0xa5: {  	[sflag:s23] =	ssyncset.done $0x0  }
0xa6: {  	s25 =	simm.s32 $0x1B8E;
	s24 =	sld [smem:$0x3FFE];
	[sflag:s23] =	ssyncadd.s32 $0xFFFFFFFF  }
0xa7: {  	s26 =	simm.s32 $execute0_lowered;
	[smem:$0x3FD2] =	sst s25  }
0xa8: {  	s7 =	sshll.u32 s26, $0x1;
	_ =	strace $0x80000046;
	[dreg:$0x1] =	wrdreg $0xFFFFFFFF  }
0xa9: {  	s28 =	simm.s32 $_size_execute0_lowered;
	s5 =	sadd.s32 s5, s7;
	[dreg:$0x0] =	wrdreg $0x0  }
0xaa: {  	s7 =	sshll.u32 s28, $0x1;
	[dreg:$0x2] =	wrdreg s5  }
0xab: {  	[dreg:$0x3] =	wrdreg s7  }
0xac: {  	[dreg:$0x4] =	wrdreg $0xC0  }
0xad: {  	_ =	task [dreg:s9], $0x5FFFF  }
0xae: {  	[dreg:$0x1] =	wrdreg $0xFFFFFFFF  }
0xaf: {  	[dreg:$0x0] =	wrdreg $0x60  }
0xb0: {  	[dreg:$0x2] =	wrdreg s2  }
0xb1: {  	[dreg:$0x3] =	wrdreg s18  }
0xb2: {  	[dreg:$0x4] =	wrdreg s4  }
0xb3: {  	[dreg:$0x5] =	wrdreg s24  }
0xb4: {  	[dreg:$0x6] =	wrdreg $0x9  }
0xb5: {  	_ =	task.clear_ibuf [dreg:s9], $0x7FFFF;
	_ =	strace $0x90000046  }
0xb6: {  	s29 =	simm.s32 $0x9;
	_ =	strace $0x80000048  }
0xb7: {  	_ =	swait.ge [sflag:s29], $0x1  }
0xb8: {  	[sflag:s29] =	ssyncadd.s32 $0xFFFFFFFF  }
0xb9: {  	_ =	strace $0x90000048  }
0xba: {  	_ =	sfence  }
0xbb: {  	s30 =	sld [smem:$0x0];
	_ =	sdelay $0x2  }
0xbc: {  	s31 =	sshll.u32 s1, $0xD;
	s1 =	sshrl.u32 s1, $0x2  }
0xbd: {  	s3 =	sand.u32 $0x4000, s31;
	s1 =	sadd.s32 s1, s30  }
0xbe: {  	s0 =	sor.u32 s3, s0;
	s1 =	sshll.u32 s1, $0x11  }
0xbf: {  	s0 =	sor.u32 s1, s0  }
0xc0: {  	s0 =	sadd.s32 $0x8F2B, s0  }
0xc1: {  	[sflag:s0] =	ssyncadd.remote.s32 $0x1  }
0xc2: {  	_ =	sfence.sel $0xFFFF  }
0xc3: {  	[dreg:$0x0] =	wrdreg $0xFFFFFFFF;
	(pc) =	sbr.abs _section_cstart, $3  }
0xc4: {  	[dreg:$0x1] =	wrdreg $0xFFFFFFFF  }
0xc5: {  	_ =	task.clear_ibuf [dreg:s9], $0x2FFFF;
	_ =	strace $0x9FFFFFFF  }
0xc6: {  	(tm) =	ssettm $0x7FFFFFFF  }
0xc7: {  	_ =	shalt  }
tec
execute0_lowered:
.L_overlay_start_1:
0x0: {  	(tag) =	ssettag $0x1  }
0x1: {  	s0 =	srdreg.scid  }
0x2: {  	s4 =	stileid.u32;
	s0 =	sand.u32 $0x1, s0  }
0x3: {  	v34 =	vlaneseq.u32;
	s6 =	sshll.u32 s4, $0x9;
	s7 =	sshll.u32 s0, $0x8  }
0x4: {  	vm0 =	vmmov $0xffff;
	v33 =	vshrl.u32 v34, $0x3;
	s26 =	sor.u32 s7, s6  }
0x5: {  	v31 =	vor.u32 $0x2000, v34;
	v32 =	vand.u32 $0x7, v34;
	v33 =	vmul.u32 $0x8, v33;
	s29 =	sor.u32 $0x10, s26  }
0x6: {  	s30 =	sor.u32 $0x20, s26;
	v0 =	vor.u32 s26, v34;
	v1 =	vor.u32 s26, v31;
	v2 =	vor.u32 s29, v34  }
0x7: {  	s1 =	rddreg [dreg:$0x0];
	s28 =	sor.u32 $0x30, s26;
	s14 =	sor.u32 $0x40, s26;
	v3 =	vor.u32 s29, v31;
	v4 =	vor.u32 s30, v34;
	v5 =	vor.u32 s30, v31  }
0x8: {  	s2 =	rddreg [dreg:$0x1];
	s25 =	sor.u32 $0x50, s26;
	v6 =	vor.u32 s28, v34;
	v7 =	vor.u32 s28, v31;
	v8 =	vor.u32 s14, v34  }
0x9: {  	s3 =	rddreg [dreg:$0x2];
	s24 =	sor.u32 $0x60, s26;
	s23 =	sor.u32 $0x70, s26;
	v9 =	vor.u32 s14, v31;
	v10 =	vor.u32 s25, v34;
	v11 =	vor.u32 s25, v31  }
0xa: {  	s5 =	rddreg [dreg:$0x3];
	s4 =	simm.s32 $0x0;
	s21 =	sor.u32 $0x80, s26;
	v12 =	vor.u32 s24, v34;
	v13 =	vor.u32 s24, v31;
	v14 =	vor.u32 s23, v34  }
0xb: {  	s5 =	sadd.s32 $0x400, s5;
	s20 =	sor.u32 $0x90, s26;
	s18 =	sor.u32 $0xA0, s26;
	v15 =	vor.u32 s23, v31;
	v16 =	vor.u32 s21, v34;
	v17 =	vor.u32 s21, v31  }
0xc: {  	[smem:$0x7FF] =	sst s4;
	s0 =	ssub.s32 $0x2, s0;
	s15 =	sor.u32 $0xB0, s26;
	v18 =	vor.u32 s20, v34;
	v19 =	vor.u32 s20, v31;
	v20 =	vor.u32 s18, v34  }
0xd: {  	_ =	strace $0x80000047;
	s31 =	sor.u32 $0xC0, s26;
	s16 =	sor.u32 $0xD0, s26;
	v21 =	vor.u32 s18, v31;
	v22 =	vor.u32 s15, v34;
	v23 =	vor.u32 s15, v31  }
0xe: {  	s12 =	sshrl.u32 s0, $0x1;
	s6 =	sshrl.u32 s26, $0x3;
	s19 =	sor.u32 $0xE0, s26;
	v24 =	vor.u32 s31, v34;
	v25 =	vor.u32 s31, v31;
	v26 =	vor.u32 s16, v34  }
0xf: {  	s13 =	ssub.s32 s0, s12;
	s22 =	sor.u32 $0xF0, s26;
	s3 =	sadd.s32 s3, s6;
	v27 =	vor.u32 s16, v31;
	v28 =	vor.u32 s19, v34;
	v29 =	vor.u32 s19, v31  }
0x10: {  	s17 =	smax.u32 s13, $0x1;
	v30 =	vor.u32 s22, v34;
	v31 =	vor.u32 s22, v31;
	v34 =	vor.u32 $0x8, v34;
	s15 =	simm.s32 $0x18100;
	[dreg:$0x5] =	wrdreg s3  }
.LBB2_1:
0x11: {  	s30 =	rddreg [dreg:$0x5];
	s0 =	simm.s32 $0xF  }
0x12: {  	[tilespmem:s4], [sflag:$0xF] =	stream.linear.gather [hbm4b:s30+s4], $0x100, $0x38;
	[tilespmem:$0x1C900] =	vst v63  }
0x13: {  	_ =	swait.ge [sflag:s0], $0x100  }
0x14: {  	[sflag:s0] =	ssyncset.done $0x0  }
0x15: {  	[sflag:s0] =	ssyncadd.s32 $0xFFFFFF00  }
0x16: {  	v35 =	vld [tilespmem:$0x0];
	_ =	sdelay $0x1  }
0x17: {  	v36 =	vld [tilespmem:$0x10];
	_ =	sdelay $0x1  }
0x18: {  	v37 =	vld [tilespmem:$0x20]  }
0x19: {  	vm1 =	vlt.s32 v35, $0x166A0;
	v35 =	vadd.s32 $0x2000, v35  }
0x1a: {  	v38 =	vld [tilespmem:$0x30];
	v35 =	vsel vm1, v35, v0  }
0x1b: {  	v63 =	vsel vm1, v0, v1;
	vm1 =	vlt.s32 v36, $0x166A0;
	v36 =	vadd.s32 $0x2000, v36;
	[tilespmem:$0x100] =	vst v35  }
0x1c: {  	v41 =	vld [tilespmem:$0x40];
	[tilespmem:$0x500] =	vst v63;
	v40 =	vsel vm1, v36, v2  }
0x1d: {  	v42 =	vsel vm1, v2, v3;
	vm1 =	vlt.s32 v37, $0x166A0;
	v37 =	vadd.s32 $0x2000, v37;
	[tilespmem:$0x110] =	vst v40  }
0x1e: {  	v44 =	vld [tilespmem:$0x50];
	[tilespmem:$0x510] =	vst v42;
	v43 =	vsel vm1, v37, v4  }
0x1f: {  	v45 =	vsel vm1, v4, v5;
	vm1 =	vlt.s32 v38, $0x166A0;
	v38 =	vadd.s32 $0x2000, v38;
	[tilespmem:$0x120] =	vst v43  }
0x20: {  	v47 =	vld [tilespmem:$0x60];
	[tilespmem:$0x520] =	vst v45;
	v46 =	vsel vm1, v38, v6  }
0x21: {  	v36 =	vadd.s32 $0x2000, v41;
	v48 =	vsel vm1, v6, v7;
	vm1 =	vlt.s32 v41, $0x166A0;
	[tilespmem:$0x130] =	vst v46  }
0x22: {  	v50 =	vld [tilespmem:$0x70];
	[tilespmem:$0x530] =	vst v48;
	v49 =	vsel vm1, v36, v8  }
0x23: {  	v37 =	vadd.s32 $0x2000, v44;
	v51 =	vsel vm1, v8, v9;
	vm1 =	vlt.s32 v44, $0x166A0;
	[tilespmem:$0x180] =	vst v49  }
0x24: {  	v53 =	vld [tilespmem:$0x80];
	[tilespmem:$0x580] =	vst v51;
	v52 =	vsel vm1, v37, v10  }
0x25: {  	v38 =	vadd.s32 $0x2000, v47;
	v54 =	vsel vm1, v10, v11;
	vm1 =	vlt.s32 v47, $0x166A0;
	[tilespmem:$0x190] =	vst v52  }
0x26: {  	v56 =	vld [tilespmem:$0x90];
	[tilespmem:$0x590] =	vst v54;
	v55 =	vsel vm1, v38, v12  }
0x27: {  	v36 =	vadd.s32 $0x2000, v50;
	v57 =	vsel vm1, v12, v13;
	vm1 =	vlt.s32 v50, $0x166A0;
	[tilespmem:$0x1A0] =	vst v55  }
0x28: {  	v59 =	vld [tilespmem:$0xA0];
	[tilespmem:$0x5A0] =	vst v57;
	v58 =	vsel vm1, v36, v14  }
0x29: {  	v37 =	vadd.s32 $0x2000, v53;
	v60 =	vsel vm1, v14, v15;
	vm1 =	vlt.s32 v53, $0x166A0;
	[tilespmem:$0x1B0] =	vst v58  }
0x2a: {  	v62 =	vld [tilespmem:$0xB0];
	[tilespmem:$0x5B0] =	vst v60;
	v61 =	vsel vm1, v37, v16  }
0x2b: {  	v38 =	vadd.s32 $0x2000, v56;
	v63 =	vsel vm1, v16, v17;
	vm1 =	vlt.s32 v56, $0x166A0;
	[tilespmem:$0x200] =	vst v61  }
0x2c: {  	v41 =	vld [tilespmem:$0xC0];
	[tilespmem:$0x600] =	vst v63;
	v40 =	vsel vm1, v38, v18  }
0x2d: {  	v36 =	vadd.s32 $0x2000, v59;
	v42 =	vsel vm1, v18, v19;
	vm1 =	vlt.s32 v59, $0x166A0;
	[tilespmem:$0x210] =	vst v40  }
0x2e: {  	v44 =	vld [tilespmem:$0xD0];
	[tilespmem:$0x610] =	vst v42;
	v43 =	vsel vm1, v36, v20  }
0x2f: {  	v37 =	vadd.s32 $0x2000, v62;
	v45 =	vsel vm1, v20, v21;
	vm1 =	vlt.s32 v62, $0x166A0;
	[tilespmem:$0x220] =	vst v43  }
0x30: {  	v47 =	vld [tilespmem:$0xE0];
	[tilespmem:$0x620] =	vst v45;
	v46 =	vsel vm1, v37, v22  }
0x31: {  	v38 =	vadd.s32 $0x2000, v41;
	v48 =	vsel vm1, v22, v23;
	vm1 =	vlt.s32 v41, $0x166A0;
	[tilespmem:$0x230] =	vst v46  }
0x32: {  	v50 =	vld [tilespmem:$0xF0];
	[tilespmem:$0x630] =	vst v48;
	v49 =	vsel vm1, v38, v24  }
0x33: {  	v36 =	vadd.s32 $0x2000, v44;
	v51 =	vsel vm1, v24, v25;
	vm1 =	vlt.s32 v44, $0x166A0;
	[tilespmem:$0x280] =	vst v49  }
0x34: {  	v53 =	vld [tilespmem:$0x0];
	[tilespmem:$0x680] =	vst v51;
	v52 =	vsel vm1, v36, v26  }
0x35: {  	v37 =	vadd.s32 $0x2000, v47;
	v54 =	vsel vm1, v26, v27;
	vm1 =	vlt.s32 v47, $0x166A0;
	[tilespmem:$0x290] =	vst v52  }
0x36: {  	v56 =	vld [tilespmem:$0x10];
	[tilespmem:$0x690] =	vst v54;
	v55 =	vsel vm1, v37, v28  }
0x37: {  	v38 =	vadd.s32 $0x2000, v50;
	v57 =	vsel vm1, v28, v29;
	vm1 =	vlt.s32 v50, $0x166A0;
	[tilespmem:$0x2A0] =	vst v55  }
0x38: {  	v59 =	vld [tilespmem:$0x20];
	[tilespmem:$0x6A0] =	vst v57;
	v58 =	vsel vm1, v38, v30  }
0x39: {  	v36 =	vadd.s32 $0xFFFE9960, v53;
	v60 =	vsel vm1, v30, v31;
	vm1 =	vgt.s32 v53, $0x1669F;
	[tilespmem:$0x2B0] =	vst v58  }
0x3a: {  	v62 =	vld [tilespmem:$0x30];
	[tilespmem:$0x6B0] =	vst v60;
	v61 =	vsel vm1, v36, v0  }
0x3b: {  	v37 =	vadd.s32 $0xFFFE9960, v56;
	v63 =	vsel vm1, v0, v1;
	vm1 =	vgt.s32 v56, $0x1669F;
	[tilespmem:$0x300] =	vst v61  }
0x3c: {  	v41 =	vld [tilespmem:$0x40];
	[tilespmem:$0x700] =	vst v63;
	v40 =	vsel vm1, v37, v2  }
0x3d: {  	v38 =	vadd.s32 $0xFFFE9960, v59;
	v42 =	vsel vm1, v2, v3;
	vm1 =	vgt.s32 v59, $0x1669F;
	[tilespmem:$0x310] =	vst v40  }
0x3e: {  	v39 =	vld [tilespmem:$0xB0];
	[tilespmem:$0x710] =	vst v42;
	v43 =	vsel vm1, v38, v4  }
0x3f: {  	v44 =	vld [tilespmem:$0x50];
	v36 =	vadd.s32 $0xFFFE9960, v62;
	v45 =	vsel vm1, v4, v5;
	vm1 =	vgt.s32 v62, $0x1669F;
	[tilespmem:$0x320] =	vst v43  }
0x40: {  	[tilespmem:$0x720] =	vst v45;
	v46 =	vsel vm1, v36, v6  }
0x41: {  	v37 =	vadd.s32 $0xFFFE9960, v41;
	v48 =	vsel vm1, v6, v7;
	vm1 =	vgt.s32 v41, $0x1669F;
	[tilespmem:$0x330] =	vst v46  }
0x42: {  	v47 =	vld [tilespmem:$0x60];
	[tilespmem:$0x730] =	vst v48;
	v49 =	vsel vm1, v37, v8  }
0x43: {  	vm2 =	vgt.s32 v39, $0x1669F;
	v51 =	vsel vm1, v8, v9;
	[tilespmem:$0x380] =	vst v49  }
0x44: {  	v50 =	vld [tilespmem:$0x70];
	v38 =	vadd.s32 $0xFFFE9960, v44;
	vm1 =	vgt.s32 v44, $0x1669F;
	v48 =	vsel vm2, v22, v23;
	[tilespmem:$0x780] =	vst v51  }
0x45: {  	v52 =	vsel vm1, v38, v10;
	[tilespmem:$0x830] =	vst v48  }
0x46: {  	v53 =	vld [tilespmem:$0x80];
	v44 =	vadd.s32 $0xFFFE9960, v39;
	v54 =	vsel vm1, v10, v11;
	[tilespmem:$0x390] =	vst v52  }
0x47: {  	v36 =	vadd.s32 $0xFFFE9960, v47;
	vm1 =	vgt.s32 v47, $0x1669F;
	v47 =	vsel vm2, v44, v22;
	[tilespmem:$0x790] =	vst v54  }
0x48: {  	v56 =	vld [tilespmem:$0x90];
	v55 =	vsel vm1, v36, v12;
	[tilespmem:$0x430] =	vst v47  }
0x49: {  	v59 =	vld [tilespmem:$0xA0];
	v37 =	vadd.s32 $0xFFFE9960, v50;
	v57 =	vsel vm1, v12, v13;
	vm1 =	vgt.s32 v50, $0x1669F;
	[tilespmem:$0x3A0] =	vst v55  }
0x4a: {  	v62 =	vld [tilespmem:$0xC0];
	[tilespmem:$0x7A0] =	vst v57;
	v58 =	vsel vm1, v37, v14  }
0x4b: {  	v40 =	vld [tilespmem:$0x100];
	v38 =	vadd.s32 $0xFFFE9960, v53;
	v60 =	vsel vm1, v14, v15;
	vm1 =	vgt.s32 v53, $0x1669F;
	[tilespmem:$0x3B0] =	vst v58  }
0x4c: {  	[tilespmem:$0x7B0] =	vst v60;
	v61 =	vsel vm1, v38, v16  }
0x4d: {  	v45 =	vld [tilespmem:$0xD0];
	v36 =	vadd.s32 $0xFFFE9960, v56;
	v63 =	vsel vm1, v16, v17;
	vm1 =	vgt.s32 v56, $0x1669F;
	[tilespmem:$0x400] =	vst v61  }
0x4e: {  	[tilespmem:$0x800] =	vst v63;
	v36 =	vsel vm1, v36, v18  }
0x4f: {  	v42 =	vadd.s32 $0xFFFE9960, v59;
	v41 =	vsel vm1, v18, v19;
	vm1 =	vgt.s32 v59, $0x1669F;
	[tilespmem:$0x410] =	vst v36  }
0x50: {  	v49 =	vld [tilespmem:$0xE0];
	v50 =	vadd.s32 $0xFFFE9960, v62;
	v51 =	vand.u32 $0x7, v40;
	[tilespmem:$0x810] =	vst v41;
	v43 =	vsel vm1, v42, v20  }
0x51: {  	v46 =	vsel vm1, v20, v21;
	vm1 =	vgt.s32 v62, $0x1669F;
	v41 =	vshll.u32 v40, $0x1;
	[tilespmem:$0x420] =	vst v43  }
0x52: {  	v54 =	vld [tilespmem:$0xF0];
	v37 =	vadd.s32 $0xFFFE9960, v45;
	[tilespmem:$0x820] =	vst v46;
	v52 =	vand.u32 $0xFFFFFFF0, v41;
	v35 =	vsel vm1, v50, v24  }
0x53: {  	v55 =	vsel vm1, v24, v25;
	vm1 =	vgt.s32 v45, $0x1669F;
	v53 =	vor.u32 v51, v52;
	[tilespmem:$0x480] =	vst v35  }
0x54: {  	[tilespmem:$0x880] =	vst v55;
	v56 =	vsel vm1, v37, v26;
	v57 =	vperm.xlane v53, v32  }
0x55: {  	v39 =	vadd.s32 $0xFFFE9960, v49;
	v58 =	vsel vm1, v26, v27;
	vm1 =	vgt.s32 v49, $0x1669F;
	[tilespmem:$0x490] =	vst v56  }
0x56: {  	[tilespmem:$0x890] =	vst v58;
	v59 =	vsel vm1, v39, v28;
	v36 =	vperm.xlane v53, v34;
	v37 =	vadd.s32 v33, v57  }
0x57: {  	v38 =	vadd.s32 $0xFFFE9960, v54;
	v60 =	vsel vm1, v28, v29;
	vm1 =	vgt.s32 v54, $0x1669F;
	[tilespmem:$0x4A0] =	vst v59  }
0x58: {  	[tilespmem:$0x8A0] =	vst v60;
	v61 =	vsel vm1, v38, v30;
	v36 =	vadd.s32 v33, v36  }
0x59: {  	v62 =	vsel vm1, v30, v31;
	[tilespmem:$0x4B0] =	vst v61  }
0x5a: {  	s11 =	simm.s32 $0x900;
	[tilespmem:$0x8B0] =	vst v62  }
0x5b: {  	[tilespmem:s11], [sflag:$0x1] =	stream.indirect_vreg.gather [hbm4b:s1+s4], $0x80, v37, vm0, $0xb8;
	[tilespmem:$0x1C900] =	vst v63  }
0x5c: {  	s12 =	simm.s32 $0x1100  }
0x5d: {  	[tilespmem:s12], [sflag:$0x1] =	stream.indirect_vreg.gather [hbm4b:s1+s4], $0x80, v36, vm0, $0xb8;
	[tilespmem:$0x1C900] =	vst v63  }
0x5e: {  	v63 =	vld [tilespmem:$0x110];
	_ =	sdelay $0x4  }
0x5f: {  	v40 =	vshll.u32 v63, $0x1  }
0x60: {  	v35 =	vand.u32 $0x7, v63;
	v36 =	vand.u32 $0xFFFFFFF0, v40  }
0x61: {  	v35 =	vor.u32 v35, v36  }
0x62: {  	v36 =	vperm.xlane v35, v32;
	_ =	sdelay $0x1  }
0x63: {  	v35 =	vperm.xlane v35, v34;
	v36 =	vadd.s32 v33, v36;
	_ =	sdelay $0x1  }
0x64: {  	v35 =	vadd.s32 v33, v35;
	_ =	sdelay $0x1  }
0x65: {  	s13 =	simm.s32 $0x1900  }
0x66: {  	[tilespmem:s13], [sflag:$0x1] =	stream.indirect_vreg.gather [hbm4b:s1+s4], $0x80, v36, vm0, $0xb8;
	[tilespmem:$0x1C900] =	vst v63  }
0x67: {  	s14 =	simm.s32 $0x2100  }
0x68: {  	[tilespmem:s14], [sflag:$0x1] =	stream.indirect_vreg.gather [hbm4b:s1+s4], $0x80, v35, vm0, $0xb8;
	[tilespmem:$0x1C900] =	vst v63  }
0x69: {  	v35 =	vld [tilespmem:$0x120];
	_ =	sdelay $0x4  }
0x6a: {  	v41 =	vshll.u32 v35, $0x1  }
0x6b: {  	v35 =	vand.u32 $0x7, v35;
	v36 =	vand.u32 $0xFFFFFFF0, v41  }
0x6c: {  	v35 =	vor.u32 v35, v36  }
0x6d: {  	v36 =	vperm.xlane v35, v32;
	_ =	sdelay $0x1  }
0x6e: {  	v35 =	vperm.xlane v35, v34;
	v36 =	vadd.s32 v33, v36;
	_ =	sdelay $0x1  }
0x6f: {  	v35 =	vadd.s32 v33, v35;
	_ =	sdelay $0x1  }
0x70: {  	s16 =	simm.s32 $0x2900  }
0x71: {  	[tilespmem:s16], [sflag:$0x1] =	stream.indirect_vreg.gather [hbm4b:s1+s4], $0x80, v36, vm0, $0xb8;
	[tilespmem:$0x1C900] =	vst v63  }
0x72: {  	s18 =	simm.s32 $0x3100  }
0x73: {  	[tilespmem:s18], [sflag:$0x1] =	stream.indirect_vreg.gather [hbm4b:s1+s4], $0x80, v35, vm0, $0xb8;
	[tilespmem:$0x1C900] =	vst v63  }
0x74: {  	v35 =	vld [tilespmem:$0x130];
	_ =	sdelay $0x4  }
0x75: {  	v42 =	vshll.u32 v35, $0x1  }
0x76: {  	v35 =	vand.u32 $0x7, v35;
	v36 =	vand.u32 $0xFFFFFFF0, v42  }
0x77: {  	v35 =	vor.u32 v35, v36  }
0x78: {  	v36 =	vperm.xlane v35, v32;
	_ =	sdelay $0x1  }
0x79: {  	v35 =	vperm.xlane v35, v34;
	v36 =	vadd.s32 v33, v36;
	_ =	sdelay $0x1  }
0x7a: {  	v35 =	vadd.s32 v33, v35;
	_ =	sdelay $0x1  }
0x7b: {  	s19 =	simm.s32 $0x3900  }
0x7c: {  	[tilespmem:s19], [sflag:$0x1] =	stream.indirect_vreg.gather [hbm4b:s1+s4], $0x80, v36, vm0, $0xb8;
	[tilespmem:$0x1C900] =	vst v63  }
0x7d: {  	s20 =	simm.s32 $0x4100  }
0x7e: {  	[tilespmem:s20], [sflag:$0x1] =	stream.indirect_vreg.gather [hbm4b:s1+s4], $0x80, v35, vm0, $0xb8;
	[tilespmem:$0x1C900] =	vst v63  }
0x7f: {  	v35 =	vld [tilespmem:$0x180];
	_ =	sdelay $0x4  }
0x80: {  	v43 =	vshll.u32 v35, $0x1  }
0x81: {  	v35 =	vand.u32 $0x7, v35;
	v36 =	vand.u32 $0xFFFFFFF0, v43  }
0x82: {  	v35 =	vor.u32 v35, v36  }
0x83: {  	v36 =	vperm.xlane v35, v32;
	_ =	sdelay $0x1  }
0x84: {  	v35 =	vperm.xlane v35, v34;
	v36 =	vadd.s32 v33, v36;
	_ =	sdelay $0x1  }
0x85: {  	v35 =	vadd.s32 v33, v35;
	_ =	sdelay $0x1  }
0x86: {  	s30 =	simm.s32 $0x4900  }
0x87: {  	[tilespmem:s30], [sflag:$0x2] =	stream.indirect_vreg.gather [hbm4b:s1+s4], $0x80, v36, vm0, $0xb8;
	[tilespmem:$0x1C900] =	vst v63  }
0x88: {  	s31 =	simm.s32 $0x5100  }
0x89: {  	[tilespmem:s31], [sflag:$0x2] =	stream.indirect_vreg.gather [hbm4b:s1+s4], $0x80, v35, vm0, $0xb8;
	[tilespmem:$0x1C900] =	vst v63  }
0x8a: {  	v35 =	vld [tilespmem:$0x190];
	_ =	sdelay $0x4  }
0x8b: {  	v44 =	vshll.u32 v35, $0x1  }
0x8c: {  	v35 =	vand.u32 $0x7, v35;
	v36 =	vand.u32 $0xFFFFFFF0, v44  }
0x8d: {  	v35 =	vor.u32 v35, v36  }
0x8e: {  	v36 =	vperm.xlane v35, v32;
	_ =	sdelay $0x1  }
0x8f: {  	v35 =	vperm.xlane v35, v34;
	v36 =	vadd.s32 v33, v36;
	_ =	sdelay $0x1  }
0x90: {  	v35 =	vadd.s32 v33, v35;
	_ =	sdelay $0x1  }
0x91: {  	s3 =	simm.s32 $0x5900  }
0x92: {  	[tilespmem:s3], [sflag:$0x2] =	stream.indirect_vreg.gather [hbm4b:s1+s4], $0x80, v36, vm0, $0xb8;
	[tilespmem:$0x1C900] =	vst v63  }
0x93: {  	s7 =	simm.s32 $0x6100  }
0x94: {  	[tilespmem:s7], [sflag:$0x2] =	stream.indirect_vreg.gather [hbm4b:s1+s4], $0x80, v35, vm0, $0xb8;
	[tilespmem:$0x1C900] =	vst v63  }
0x95: {  	v35 =	vld [tilespmem:$0x1A0];
	_ =	sdelay $0x4  }
0x96: {  	v45 =	vshll.u32 v35, $0x1  }
0x97: {  	v35 =	vand.u32 $0x7, v35;
	v36 =	vand.u32 $0xFFFFFFF0, v45  }
0x98: {  	v35 =	vor.u32 v35, v36  }
0x99: {  	v36 =	vperm.xlane v35, v32;
	_ =	sdelay $0x1  }
0x9a: {  	v35 =	vperm.xlane v35, v34;
	v36 =	vadd.s32 v33, v36;
	_ =	sdelay $0x1  }
0x9b: {  	v35 =	vadd.s32 v33, v35;
	_ =	sdelay $0x1  }
0x9c: {  	s23 =	simm.s32 $0x6900  }
0x9d: {  	[tilespmem:s23], [sflag:$0x2] =	stream.indirect_vreg.gather [hbm4b:s1+s4], $0x80, v36, vm0, $0xb8;
	[tilespmem:$0x1C900] =	vst v63  }
0x9e: {  	s16 =	simm.s32 $0x7100  }
0x9f: {  	[tilespmem:s16], [sflag:$0x2] =	stream.indirect_vreg.gather [hbm4b:s1+s4], $0x80, v35, vm0, $0xb8;
	[tilespmem:$0x1C900] =	vst v63  }
0xa0: {  	v35 =	vld [tilespmem:$0x1B0];
	_ =	sdelay $0x4  }
0xa1: {  	v46 =	vshll.u32 v35, $0x1  }
0xa2: {  	v35 =	vand.u32 $0x7, v35;
	v36 =	vand.u32 $0xFFFFFFF0, v46  }
0xa3: {  	v35 =	vor.u32 v35, v36  }
0xa4: {  	v36 =	vperm.xlane v35, v32;
	_ =	sdelay $0x1  }
0xa5: {  	v35 =	vperm.xlane v35, v34;
	v36 =	vadd.s32 v33, v36;
	_ =	sdelay $0x1  }
0xa6: {  	v35 =	vadd.s32 v33, v35;
	_ =	sdelay $0x1  }
0xa7: {  	s18 =	simm.s32 $0x7900  }
0xa8: {  	[tilespmem:s18], [sflag:$0x2] =	stream.indirect_vreg.gather [hbm4b:s1+s4], $0x80, v36, vm0, $0xb8;
	[tilespmem:$0x1C900] =	vst v63  }
0xa9: {  	s19 =	simm.s32 $0x8100  }
0xaa: {  	[tilespmem:s19], [sflag:$0x2] =	stream.indirect_vreg.gather [hbm4b:s1+s4], $0x80, v35, vm0, $0xb8;
	[tilespmem:$0x1C900] =	vst v63  }
0xab: {  	v35 =	vld [tilespmem:$0x200];
	_ =	sdelay $0x4  }
0xac: {  	v47 =	vshll.u32 v35, $0x1  }
0xad: {  	v35 =	vand.u32 $0x7, v35;
	v36 =	vand.u32 $0xFFFFFFF0, v47  }
0xae: {  	v35 =	vor.u32 v35, v36  }
0xaf: {  	v36 =	vperm.xlane v35, v32;
	_ =	sdelay $0x1  }
0xb0: {  	v35 =	vperm.xlane v35, v34;
	v36 =	vadd.s32 v33, v36;
	_ =	sdelay $0x1  }
0xb1: {  	v35 =	vadd.s32 v33, v35;
	_ =	sdelay $0x1  }
0xb2: {  	s20 =	simm.s32 $0x8900  }
0xb3: {  	[tilespmem:s20], [sflag:$0x3] =	stream.indirect_vreg.gather [hbm4b:s1+s4], $0x80, v36, vm0, $0xb8;
	[tilespmem:$0x1C900] =	vst v63  }
0xb4: {  	s21 =	simm.s32 $0x9100  }
0xb5: {  	[tilespmem:s21], [sflag:$0x3] =	stream.indirect_vreg.gather [hbm4b:s1+s4], $0x80, v35, vm0, $0xb8;
	[tilespmem:$0x1C900] =	vst v63  }
0xb6: {  	v35 =	vld [tilespmem:$0x210];
	_ =	sdelay $0x4  }
0xb7: {  	v48 =	vshll.u32 v35, $0x1  }
0xb8: {  	v35 =	vand.u32 $0x7, v35;
	v36 =	vand.u32 $0xFFFFFFF0, v48  }
0xb9: {  	v35 =	vor.u32 v35, v36  }
0xba: {  	v36 =	vperm.xlane v35, v32;
	_ =	sdelay $0x1  }
0xbb: {  	v35 =	vperm.xlane v35, v34;
	v36 =	vadd.s32 v33, v36;
	_ =	sdelay $0x1  }
0xbc: {  	v35 =	vadd.s32 v33, v35;
	_ =	sdelay $0x1  }
0xbd: {  	s22 =	simm.s32 $0x9900  }
0xbe: {  	[tilespmem:s22], [sflag:$0x3] =	stream.indirect_vreg.gather [hbm4b:s1+s4], $0x80, v36, vm0, $0xb8;
	[tilespmem:$0x1C900] =	vst v63  }
0xbf: {  	s24 =	simm.s32 $0xA100  }
0xc0: {  	[tilespmem:s24], [sflag:$0x3] =	stream.indirect_vreg.gather [hbm4b:s1+s4], $0x80, v35, vm0, $0xb8;
	[tilespmem:$0x1C900] =	vst v63  }
0xc1: {  	v35 =	vld [tilespmem:$0x220];
	_ =	sdelay $0x4  }
0xc2: {  	v49 =	vshll.u32 v35, $0x1  }
0xc3: {  	v35 =	vand.u32 $0x7, v35;
	v36 =	vand.u32 $0xFFFFFFF0, v49  }
0xc4: {  	v35 =	vor.u32 v35, v36  }
0xc5: {  	v36 =	vperm.xlane v35, v32;
	_ =	sdelay $0x1  }
0xc6: {  	v35 =	vperm.xlane v35, v34;
	v36 =	vadd.s32 v33, v36;
	_ =	sdelay $0x1  }
0xc7: {  	v35 =	vadd.s32 v33, v35;
	_ =	sdelay $0x1  }
0xc8: {  	s25 =	simm.s32 $0xA900  }
0xc9: {  	[tilespmem:s25], [sflag:$0x3] =	stream.indirect_vreg.gather [hbm4b:s1+s4], $0x80, v36, vm0, $0xb8;
	[tilespmem:$0x1C900] =	vst v63  }
0xca: {  	s26 =	simm.s32 $0xB100  }
0xcb: {  	[tilespmem:s26], [sflag:$0x3] =	stream.indirect_vreg.gather [hbm4b:s1+s4], $0x80, v35, vm0, $0xb8;
	[tilespmem:$0x1C900] =	vst v63  }
0xcc: {  	v35 =	vld [tilespmem:$0x230];
	_ =	sdelay $0x4  }
0xcd: {  	v50 =	vshll.u32 v35, $0x1  }
0xce: {  	v35 =	vand.u32 $0x7, v35;
	v36 =	vand.u32 $0xFFFFFFF0, v50  }
0xcf: {  	v35 =	vor.u32 v35, v36  }
0xd0: {  	v36 =	vperm.xlane v35, v32;
	_ =	sdelay $0x1  }
0xd1: {  	v35 =	vperm.xlane v35, v34;
	v36 =	vadd.s32 v33, v36;
	_ =	sdelay $0x1  }
0xd2: {  	v35 =	vadd.s32 v33, v35;
	_ =	sdelay $0x1  }
0xd3: {  	s28 =	simm.s32 $0xB900  }
0xd4: {  	[tilespmem:s28], [sflag:$0x3] =	stream.indirect_vreg.gather [hbm4b:s1+s4], $0x80, v36, vm0, $0xb8;
	[tilespmem:$0x1C900] =	vst v63  }
0xd5: {  	s29 =	simm.s32 $0xC100  }
0xd6: {  	[tilespmem:s29], [sflag:$0x3] =	stream.indirect_vreg.gather [hbm4b:s1+s4], $0x80, v35, vm0, $0xb8;
	[tilespmem:$0x1C900] =	vst v63  }
0xd7: {  	v35 =	vld [tilespmem:$0x280];
	_ =	sdelay $0x4  }
0xd8: {  	v51 =	vshll.u32 v35, $0x1  }
0xd9: {  	v35 =	vand.u32 $0x7, v35;
	v36 =	vand.u32 $0xFFFFFFF0, v51  }
0xda: {  	v35 =	vor.u32 v35, v36  }
0xdb: {  	v36 =	vperm.xlane v35, v32;
	_ =	sdelay $0x1  }
0xdc: {  	v35 =	vperm.xlane v35, v34;
	v36 =	vadd.s32 v33, v36;
	_ =	sdelay $0x1  }
0xdd: {  	v35 =	vadd.s32 v33, v35;
	_ =	sdelay $0x1  }
0xde: {  	s0 =	simm.s32 $0xC900  }
0xdf: {  	[tilespmem:s0], [sflag:$0x4] =	stream.indirect_vreg.gather [hbm4b:s1+s4], $0x80, v36, vm0, $0xb8;
	[tilespmem:$0x1C900] =	vst v63  }
0xe0: {  	s0 =	simm.s32 $0xD100  }
0xe1: {  	[tilespmem:s0], [sflag:$0x4] =	stream.indirect_vreg.gather [hbm4b:s1+s4], $0x80, v35, vm0, $0xb8;
	[tilespmem:$0x1C900] =	vst v63  }
0xe2: {  	v35 =	vld [tilespmem:$0x290];
	_ =	sdelay $0x4  }
0xe3: {  	v52 =	vshll.u32 v35, $0x1  }
0xe4: {  	v35 =	vand.u32 $0x7, v35;
	v36 =	vand.u32 $0xFFFFFFF0, v52  }
0xe5: {  	v35 =	vor.u32 v35, v36  }
0xe6: {  	v36 =	vperm.xlane v35, v32;
	_ =	sdelay $0x1  }
0xe7: {  	v35 =	vperm.xlane v35, v34;
	v36 =	vadd.s32 v33, v36;
	_ =	sdelay $0x1  }
0xe8: {  	v35 =	vadd.s32 v33, v35;
	_ =	sdelay $0x1  }
0xe9: {  	s0 =	simm.s32 $0xD900  }
0xea: {  	[tilespmem:s0], [sflag:$0x4] =	stream.indirect_vreg.gather [hbm4b:s1+s4], $0x80, v36, vm0, $0xb8;
	[tilespmem:$0x1C900] =	vst v63  }
0xeb: {  	s0 =	simm.s32 $0xE100  }
0xec: {  	[tilespmem:s0], [sflag:$0x4] =	stream.indirect_vreg.gather [hbm4b:s1+s4], $0x80, v35, vm0, $0xb8;
	[tilespmem:$0x1C900] =	vst v63  }
0xed: {  	v35 =	vld [tilespmem:$0x2A0];
	_ =	sdelay $0x4  }
0xee: {  	v53 =	vshll.u32 v35, $0x1  }
0xef: {  	v35 =	vand.u32 $0x7, v35;
	v36 =	vand.u32 $0xFFFFFFF0, v53  }
0xf0: {  	v35 =	vor.u32 v35, v36  }
0xf1: {  	v36 =	vperm.xlane v35, v32;
	_ =	sdelay $0x1  }
0xf2: {  	v35 =	vperm.xlane v35, v34;
	v36 =	vadd.s32 v33, v36;
	_ =	sdelay $0x1  }
0xf3: {  	v35 =	vadd.s32 v33, v35;
	_ =	sdelay $0x1  }
0xf4: {  	s0 =	simm.s32 $0xE900  }
0xf5: {  	[tilespmem:s0], [sflag:$0x4] =	stream.indirect_vreg.gather [hbm4b:s1+s4], $0x80, v36, vm0, $0xb8;
	[tilespmem:$0x1C900] =	vst v63  }
0xf6: {  	s0 =	simm.s32 $0xF100  }
0xf7: {  	[tilespmem:s0], [sflag:$0x4] =	stream.indirect_vreg.gather [hbm4b:s1+s4], $0x80, v35, vm0, $0xb8;
	[tilespmem:$0x1C900] =	vst v63  }
0xf8: {  	v35 =	vld [tilespmem:$0x2B0];
	_ =	sdelay $0x4  }
0xf9: {  	v54 =	vshll.u32 v35, $0x1  }
0xfa: {  	v35 =	vand.u32 $0x7, v35;
	v36 =	vand.u32 $0xFFFFFFF0, v54  }
0xfb: {  	v35 =	vor.u32 v35, v36  }
0xfc: {  	v36 =	vperm.xlane v35, v32;
	_ =	sdelay $0x1  }
0xfd: {  	v35 =	vperm.xlane v35, v34;
	v36 =	vadd.s32 v33, v36;
	_ =	sdelay $0x1  }
0xfe: {  	v35 =	vadd.s32 v33, v35;
	_ =	sdelay $0x1  }
0xff: {  	s0 =	simm.s32 $0xF900  }
0x100: {  	[tilespmem:s0], [sflag:$0x4] =	stream.indirect_vreg.gather [hbm4b:s1+s4], $0x80, v36, vm0, $0xb8;
	[tilespmem:$0x1C900] =	vst v63  }
0x101: {  	s0 =	simm.s32 $0x10100  }
0x102: {  	[tilespmem:s0], [sflag:$0x4] =	stream.indirect_vreg.gather [hbm4b:s1+s4], $0x80, v35, vm0, $0xb8;
	[tilespmem:$0x1C900] =	vst v63  }
0x103: {  	v35 =	vld [tilespmem:$0x300];
	_ =	sdelay $0x4  }
0x104: {  	v55 =	vshll.u32 v35, $0x1  }
0x105: {  	v35 =	vand.u32 $0x7, v35;
	v36 =	vand.u32 $0xFFFFFFF0, v55  }
0x106: {  	v35 =	vor.u32 v35, v36  }
0x107: {  	v36 =	vperm.xlane v35, v32;
	_ =	sdelay $0x1  }
0x108: {  	v35 =	vperm.xlane v35, v34;
	v36 =	vadd.s32 v33, v36;
	_ =	sdelay $0x1  }
0x109: {  	v35 =	vadd.s32 v33, v35;
	_ =	sdelay $0x1  }
0x10a: {  	s0 =	simm.s32 $0x10900  }
0x10b: {  	[tilespmem:s0], [sflag:$0x5] =	stream.indirect_vreg.gather [hbm4b:s2+s4], $0x80, v36, vm0, $0xb8;
	[tilespmem:$0x1C900] =	vst v63  }
0x10c: {  	s0 =	simm.s32 $0x11100  }
0x10d: {  	[tilespmem:s0], [sflag:$0x5] =	stream.indirect_vreg.gather [hbm4b:s2+s4], $0x80, v35, vm0, $0xb8;
	[tilespmem:$0x1C900] =	vst v63  }
0x10e: {  	v35 =	vld [tilespmem:$0x310];
	_ =	sdelay $0x4  }
0x10f: {  	v56 =	vshll.u32 v35, $0x1  }
0x110: {  	v35 =	vand.u32 $0x7, v35;
	v36 =	vand.u32 $0xFFFFFFF0, v56  }
0x111: {  	v35 =	vor.u32 v35, v36  }
0x112: {  	v36 =	vperm.xlane v35, v32;
	_ =	sdelay $0x1  }
0x113: {  	v35 =	vperm.xlane v35, v34;
	v36 =	vadd.s32 v33, v36;
	_ =	sdelay $0x1  }
0x114: {  	v35 =	vadd.s32 v33, v35;
	_ =	sdelay $0x1  }
0x115: {  	s0 =	simm.s32 $0x11900  }
0x116: {  	[tilespmem:s0], [sflag:$0x5] =	stream.indirect_vreg.gather [hbm4b:s2+s4], $0x80, v36, vm0, $0xb8;
	[tilespmem:$0x1C900] =	vst v63  }
0x117: {  	s0 =	simm.s32 $0x12100  }
0x118: {  	[tilespmem:s0], [sflag:$0x5] =	stream.indirect_vreg.gather [hbm4b:s2+s4], $0x80, v35, vm0, $0xb8;
	[tilespmem:$0x1C900] =	vst v63  }
0x119: {  	v35 =	vld [tilespmem:$0x320];
	_ =	sdelay $0x4  }
0x11a: {  	v57 =	vshll.u32 v35, $0x1  }
0x11b: {  	v35 =	vand.u32 $0x7, v35;
	v36 =	vand.u32 $0xFFFFFFF0, v57  }
0x11c: {  	v35 =	vor.u32 v35, v36  }
0x11d: {  	v36 =	vperm.xlane v35, v32;
	_ =	sdelay $0x1  }
0x11e: {  	v35 =	vperm.xlane v35, v34;
	v36 =	vadd.s32 v33, v36;
	_ =	sdelay $0x1  }
0x11f: {  	v35 =	vadd.s32 v33, v35;
	_ =	sdelay $0x1  }
0x120: {  	s0 =	simm.s32 $0x12900  }
0x121: {  	[tilespmem:s0], [sflag:$0x5] =	stream.indirect_vreg.gather [hbm4b:s2+s4], $0x80, v36, vm0, $0xb8;
	[tilespmem:$0x1C900] =	vst v63  }
0x122: {  	s0 =	simm.s32 $0x13100  }
0x123: {  	[tilespmem:s0], [sflag:$0x5] =	stream.indirect_vreg.gather [hbm4b:s2+s4], $0x80, v35, vm0, $0xb8;
	[tilespmem:$0x1C900] =	vst v63  }
0x124: {  	v35 =	vld [tilespmem:$0x330];
	_ =	sdelay $0x4  }
0x125: {  	v58 =	vshll.u32 v35, $0x1  }
0x126: {  	v35 =	vand.u32 $0x7, v35;
	v36 =	vand.u32 $0xFFFFFFF0, v58  }
0x127: {  	v35 =	vor.u32 v35, v36  }
0x128: {  	v36 =	vperm.xlane v35, v32;
	_ =	sdelay $0x1  }
0x129: {  	v35 =	vperm.xlane v35, v34;
	v36 =	vadd.s32 v33, v36;
	_ =	sdelay $0x1  }
0x12a: {  	v35 =	vadd.s32 v33, v35;
	_ =	sdelay $0x1  }
0x12b: {  	s0 =	simm.s32 $0x13900  }
0x12c: {  	[tilespmem:s0], [sflag:$0x5] =	stream.indirect_vreg.gather [hbm4b:s2+s4], $0x80, v36, vm0, $0xb8;
	[tilespmem:$0x1C900] =	vst v63  }
0x12d: {  	s0 =	simm.s32 $0x14100  }
0x12e: {  	[tilespmem:s0], [sflag:$0x5] =	stream.indirect_vreg.gather [hbm4b:s2+s4], $0x80, v35, vm0, $0xb8;
	[tilespmem:$0x1C900] =	vst v63  }
0x12f: {  	s0 =	simm.s32 $0x1  }
0x130: {  	_ =	swait.ge [sflag:s0], $0x4000  }
0x131: {  	[sflag:s0] =	ssyncset.done $0x0  }
0x132: {  	[sflag:s0] =	ssyncadd.s32 $0xFFFFC000  }
0x133: {  	v59 =	vld [tilespmem:$0x500];
	_ =	sdelay $0x4  }
0x134: {  	v60 =	vshll.u32 v59, $0x1  }
0x135: {  	v35 =	vand.u32 $0x7, v59;
	v36 =	vand.u32 $0xFFFFFFF0, v60  }
0x136: {  	v35 =	vor.u32 v35, v36  }
0x137: {  	v36 =	vperm.xlane v35, v32;
	_ =	sdelay $0x1  }
0x138: {  	v35 =	vperm.xlane v35, v34;
	v36 =	vadd.s32 v33, v36;
	_ =	sdelay $0x1  }
0x139: {  	v35 =	vadd.s32 v33, v35;
	_ =	sdelay $0x1  }
0x13a: {  	s6 =	simm.s32 $0x900  }
0x13b: {  	[hbm4b:s5+s4] =	stream.indirect_vreg.scatter [tilespmem:s6], [sflag:$0x8], $0x80, v36, vm0, $0xb8;
	[tilespmem:$0x1C900] =	vst v63  }
0x13c: {  	s11 =	simm.s32 $0x1100  }
0x13d: {  	[hbm4b:s5+s4] =	stream.indirect_vreg.scatter [tilespmem:s11], [sflag:$0x8], $0x80, v35, vm0, $0xb8;
	[tilespmem:$0x1C900] =	vst v63  }
0x13e: {  	v35 =	vld [tilespmem:$0x510];
	_ =	sdelay $0x4  }
0x13f: {  	v61 =	vshll.u32 v35, $0x1  }
0x140: {  	v35 =	vand.u32 $0x7, v35;
	v36 =	vand.u32 $0xFFFFFFF0, v61  }
0x141: {  	v35 =	vor.u32 v35, v36  }
0x142: {  	v36 =	vperm.xlane v35, v32;
	_ =	sdelay $0x1  }
0x143: {  	v35 =	vperm.xlane v35, v34;
	v36 =	vadd.s32 v33, v36;
	_ =	sdelay $0x1  }
0x144: {  	v35 =	vadd.s32 v33, v35;
	_ =	sdelay $0x1  }
0x145: {  	s8 =	simm.s32 $0x1900  }
0x146: {  	[hbm4b:s5+s4] =	stream.indirect_vreg.scatter [tilespmem:s8], [sflag:$0x8], $0x80, v36, vm0, $0xb8;
	[tilespmem:$0x1C900] =	vst v63  }
0x147: {  	s12 =	simm.s32 $0x2100  }
0x148: {  	[hbm4b:s5+s4] =	stream.indirect_vreg.scatter [tilespmem:s12], [sflag:$0x8], $0x80, v35, vm0, $0xb8;
	[tilespmem:$0x1C900] =	vst v63  }
0x149: {  	v35 =	vld [tilespmem:$0x520];
	_ =	sdelay $0x4  }
0x14a: {  	v62 =	vshll.u32 v35, $0x1  }
0x14b: {  	v35 =	vand.u32 $0x7, v35;
	v36 =	vand.u32 $0xFFFFFFF0, v62  }
0x14c: {  	v35 =	vor.u32 v35, v36  }
0x14d: {  	v36 =	vperm.xlane v35, v32;
	_ =	sdelay $0x1  }
0x14e: {  	v35 =	vperm.xlane v35, v34;
	v36 =	vadd.s32 v33, v36;
	_ =	sdelay $0x1  }
0x14f: {  	v35 =	vadd.s32 v33, v35;
	_ =	sdelay $0x1  }
0x150: {  	s9 =	simm.s32 $0x2900  }
0x151: {  	[hbm4b:s5+s4] =	stream.indirect_vreg.scatter [tilespmem:s9], [sflag:$0x8], $0x80, v36, vm0, $0xb8;
	[tilespmem:$0x1C900] =	vst v63  }
0x152: {  	s13 =	simm.s32 $0x3100  }
0x153: {  	[hbm4b:s5+s4] =	stream.indirect_vreg.scatter [tilespmem:s13], [sflag:$0x8], $0x80, v35, vm0, $0xb8;
	[tilespmem:$0x1C900] =	vst v63  }
0x154: {  	v35 =	vld [tilespmem:$0x530];
	_ =	sdelay $0x4  }
0x155: {  	v63 =	vshll.u32 v35, $0x1  }
0x156: {  	v35 =	vand.u32 $0x7, v35;
	v36 =	vand.u32 $0xFFFFFFF0, v63  }
0x157: {  	v35 =	vor.u32 v35, v36  }
0x158: {  	v36 =	vperm.xlane v35, v32;
	_ =	sdelay $0x1  }
0x159: {  	v35 =	vperm.xlane v35, v34;
	v36 =	vadd.s32 v33, v36;
	_ =	sdelay $0x1  }
0x15a: {  	v35 =	vadd.s32 v33, v35;
	_ =	sdelay $0x1  }
0x15b: {  	s10 =	simm.s32 $0x3900  }
0x15c: {  	[hbm4b:s5+s4] =	stream.indirect_vreg.scatter [tilespmem:s10], [sflag:$0x8], $0x80, v36, vm0, $0xb8;
	[tilespmem:$0x1C900] =	vst v63  }
0x15d: {  	s14 =	simm.s32 $0x4100  }
0x15e: {  	[hbm4b:s5+s4] =	stream.indirect_vreg.scatter [tilespmem:s14], [sflag:$0x8], $0x80, v35, vm0, $0xb8;
	[tilespmem:$0x1C900] =	vst v63  }
0x15f: {  	v35 =	vld [tilespmem:$0x380];
	_ =	sdelay $0x4  }
0x160: {  	v40 =	vshll.u32 v35, $0x1  }
0x161: {  	v35 =	vand.u32 $0x7, v35;
	v36 =	vand.u32 $0xFFFFFFF0, v40  }
0x162: {  	v35 =	vor.u32 v35, v36  }
0x163: {  	v36 =	vperm.xlane v35, v32;
	_ =	sdelay $0x1  }
0x164: {  	v35 =	vperm.xlane v35, v34;
	v36 =	vadd.s32 v33, v36;
	_ =	sdelay $0x1  }
0x165: {  	v35 =	vadd.s32 v33, v35;
	_ =	sdelay $0x1  }
0x166: {  	s8 =	simm.s32 $0x14900  }
0x167: {  	[tilespmem:s8], [sflag:$0x6] =	stream.indirect_vreg.gather [hbm4b:s2+s4], $0x80, v36, vm0, $0xb8;
	[tilespmem:$0x1C900] =	vst v63  }
0x168: {  	s9 =	simm.s32 $0x15100  }
0x169: {  	[tilespmem:s9], [sflag:$0x6] =	stream.indirect_vreg.gather [hbm4b:s2+s4], $0x80, v35, vm0, $0xb8;
	[tilespmem:$0x1C900] =	vst v63  }
0x16a: {  	v35 =	vld [tilespmem:$0x390];
	_ =	sdelay $0x4  }
0x16b: {  	v41 =	vshll.u32 v35, $0x1  }
0x16c: {  	v35 =	vand.u32 $0x7, v35;
	v36 =	vand.u32 $0xFFFFFFF0, v41  }
0x16d: {  	v35 =	vor.u32 v35, v36  }
0x16e: {  	v36 =	vperm.xlane v35, v32;
	_ =	sdelay $0x1  }
0x16f: {  	v35 =	vperm.xlane v35, v34;
	v36 =	vadd.s32 v33, v36;
	_ =	sdelay $0x1  }
0x170: {  	v35 =	vadd.s32 v33, v35;
	_ =	sdelay $0x1  }
0x171: {  	s10 =	simm.s32 $0x15900  }
0x172: {  	[tilespmem:s10], [sflag:$0x6] =	stream.indirect_vreg.gather [hbm4b:s2+s4], $0x80, v36, vm0, $0xb8;
	[tilespmem:$0x1C900] =	vst v63  }
0x173: {  	s11 =	simm.s32 $0x16100  }
0x174: {  	[tilespmem:s11], [sflag:$0x6] =	stream.indirect_vreg.gather [hbm4b:s2+s4], $0x80, v35, vm0, $0xb8;
	[tilespmem:$0x1C900] =	vst v63  }
0x175: {  	v35 =	vld [tilespmem:$0x3A0];
	_ =	sdelay $0x4  }
0x176: {  	v42 =	vshll.u32 v35, $0x1  }
0x177: {  	v35 =	vand.u32 $0x7, v35;
	v36 =	vand.u32 $0xFFFFFFF0, v42  }
0x178: {  	v35 =	vor.u32 v35, v36  }
0x179: {  	v36 =	vperm.xlane v35, v32;
	_ =	sdelay $0x1  }
0x17a: {  	v35 =	vperm.xlane v35, v34;
	v36 =	vadd.s32 v33, v36;
	_ =	sdelay $0x1  }
0x17b: {  	v35 =	vadd.s32 v33, v35;
	_ =	sdelay $0x1  }
0x17c: {  	s12 =	simm.s32 $0x16900  }
0x17d: {  	[tilespmem:s12], [sflag:$0x6] =	stream.indirect_vreg.gather [hbm4b:s2+s4], $0x80, v36, vm0, $0xb8;
	[tilespmem:$0x1C900] =	vst v63  }
0x17e: {  	s13 =	simm.s32 $0x17100  }
0x17f: {  	[tilespmem:s13], [sflag:$0x6] =	stream.indirect_vreg.gather [hbm4b:s2+s4], $0x80, v35, vm0, $0xb8;
	[tilespmem:$0x1C900] =	vst v63  }
0x180: {  	v35 =	vld [tilespmem:$0x3B0];
	_ =	sdelay $0x4  }
0x181: {  	v43 =	vshll.u32 v35, $0x1  }
0x182: {  	v35 =	vand.u32 $0x7, v35;
	v36 =	vand.u32 $0xFFFFFFF0, v43  }
0x183: {  	v35 =	vor.u32 v35, v36  }
0x184: {  	v36 =	vperm.xlane v35, v32;
	_ =	sdelay $0x1  }
0x185: {  	v35 =	vperm.xlane v35, v34;
	v36 =	vadd.s32 v33, v36;
	_ =	sdelay $0x1  }
0x186: {  	v35 =	vadd.s32 v33, v35;
	_ =	sdelay $0x1  }
0x187: {  	s14 =	simm.s32 $0x17900  }
0x188: {  	[tilespmem:s14], [sflag:$0x6] =	stream.indirect_vreg.gather [hbm4b:s2+s4], $0x80, v36, vm0, $0xb8;
	[tilespmem:$0x1C900] =	vst v63  }
0x189: {  	s6 =	simm.s32 $0x2  }
0x18a: {  	[tilespmem:s15], [sflag:$0x6] =	stream.indirect_vreg.gather [hbm4b:s2+s4], $0x80, v35, vm0, $0xb8;
	[tilespmem:$0x1C900] =	vst v63  }
0x18b: {  	_ =	swait.ge [sflag:s6], $0x4000  }
0x18c: {  	[sflag:s6] =	ssyncset.done $0x0  }
0x18d: {  	[sflag:s6] =	ssyncadd.s32 $0xFFFFC000  }
0x18e: {  	v44 =	vld [tilespmem:$0x580];
	_ =	sdelay $0x4  }
0x18f: {  	v45 =	vshll.u32 v44, $0x1  }
0x190: {  	v35 =	vand.u32 $0x7, v44;
	v36 =	vand.u32 $0xFFFFFFF0, v45  }
0x191: {  	v35 =	vor.u32 v35, v36  }
0x192: {  	v36 =	vperm.xlane v35, v32;
	_ =	sdelay $0x1  }
0x193: {  	v35 =	vperm.xlane v35, v34;
	v36 =	vadd.s32 v33, v36;
	_ =	sdelay $0x1  }
0x194: {  	v35 =	vadd.s32 v33, v35;
	_ =	sdelay $0x2  }
0x195: {  	[hbm4b:s5+s4] =	stream.indirect_vreg.scatter [tilespmem:s30], [sflag:$0x9], $0x80, v36, vm0, $0xb8;
	[tilespmem:$0x1C900] =	vst v63  }
0x196: {  	_ = 	snop  }
0x197: {  	[hbm4b:s5+s4] =	stream.indirect_vreg.scatter [tilespmem:s31], [sflag:$0x9], $0x80, v35, vm0, $0xb8;
	[tilespmem:$0x1C900] =	vst v63  }
0x198: {  	v35 =	vld [tilespmem:$0x590];
	_ =	sdelay $0x4  }
0x199: {  	v46 =	vshll.u32 v35, $0x1  }
0x19a: {  	v35 =	vand.u32 $0x7, v35;
	v36 =	vand.u32 $0xFFFFFFF0, v46  }
0x19b: {  	v35 =	vor.u32 v35, v36  }
0x19c: {  	v36 =	vperm.xlane v35, v32;
	_ =	sdelay $0x1  }
0x19d: {  	v35 =	vperm.xlane v35, v34;
	v36 =	vadd.s32 v33, v36;
	_ =	sdelay $0x1  }
0x19e: {  	v35 =	vadd.s32 v33, v35;
	_ =	sdelay $0x2  }
0x19f: {  	[hbm4b:s5+s4] =	stream.indirect_vreg.scatter [tilespmem:s3], [sflag:$0x9], $0x80, v36, vm0, $0xb8;
	[tilespmem:$0x1C900] =	vst v63  }
0x1a0: {  	_ = 	snop  }
0x1a1: {  	[hbm4b:s5+s4] =	stream.indirect_vreg.scatter [tilespmem:s7], [sflag:$0x9], $0x80, v35, vm0, $0xb8;
	[tilespmem:$0x1C900] =	vst v63  }
0x1a2: {  	v35 =	vld [tilespmem:$0x5A0];
	_ =	sdelay $0x4  }
0x1a3: {  	v47 =	vshll.u32 v35, $0x1  }
0x1a4: {  	v35 =	vand.u32 $0x7, v35;
	v36 =	vand.u32 $0xFFFFFFF0, v47  }
0x1a5: {  	v35 =	vor.u32 v35, v36  }
0x1a6: {  	v36 =	vperm.xlane v35, v32;
	_ =	sdelay $0x1  }
0x1a7: {  	v35 =	vperm.xlane v35, v34;
	v36 =	vadd.s32 v33, v36;
	_ =	sdelay $0x1  }
0x1a8: {  	v35 =	vadd.s32 v33, v35;
	_ =	sdelay $0x2  }
0x1a9: {  	[hbm4b:s5+s4] =	stream.indirect_vreg.scatter [tilespmem:s23], [sflag:$0x9], $0x80, v36, vm0, $0xb8;
	[tilespmem:$0x1C900] =	vst v63  }
0x1aa: {  	_ = 	snop  }
0x1ab: {  	[hbm4b:s5+s4] =	stream.indirect_vreg.scatter [tilespmem:s16], [sflag:$0x9], $0x80, v35, vm0, $0xb8;
	[tilespmem:$0x1C900] =	vst v63  }
0x1ac: {  	v35 =	vld [tilespmem:$0x5B0];
	_ =	sdelay $0x4  }
0x1ad: {  	v48 =	vshll.u32 v35, $0x1  }
0x1ae: {  	v35 =	vand.u32 $0x7, v35;
	v36 =	vand.u32 $0xFFFFFFF0, v48  }
0x1af: {  	v35 =	vor.u32 v35, v36  }
0x1b0: {  	v36 =	vperm.xlane v35, v32;
	_ =	sdelay $0x1  }
0x1b1: {  	v35 =	vperm.xlane v35, v34;
	v36 =	vadd.s32 v33, v36;
	_ =	sdelay $0x1  }
0x1b2: {  	v35 =	vadd.s32 v33, v35;
	_ =	sdelay $0x2  }
0x1b3: {  	[hbm4b:s5+s4] =	stream.indirect_vreg.scatter [tilespmem:s18], [sflag:$0x9], $0x80, v36, vm0, $0xb8;
	[tilespmem:$0x1C900] =	vst v63  }
0x1b4: {  	_ = 	snop  }
0x1b5: {  	[hbm4b:s5+s4] =	stream.indirect_vreg.scatter [tilespmem:s19], [sflag:$0x9], $0x80, v35, vm0, $0xb8;
	[tilespmem:$0x1C900] =	vst v63  }
0x1b6: {  	v35 =	vld [tilespmem:$0x400];
	_ =	sdelay $0x4  }
0x1b7: {  	v49 =	vshll.u32 v35, $0x1  }
0x1b8: {  	v35 =	vand.u32 $0x7, v35;
	v36 =	vand.u32 $0xFFFFFFF0, v49  }
0x1b9: {  	v35 =	vor.u32 v35, v36  }
0x1ba: {  	v36 =	vperm.xlane v35, v32;
	_ =	sdelay $0x1  }
0x1bb: {  	v35 =	vperm.xlane v35, v34;
	v36 =	vadd.s32 v33, v36;
	_ =	sdelay $0x1  }
0x1bc: {  	v35 =	vadd.s32 v33, v35;
	_ =	sdelay $0x1  }
0x1bd: {  	s3 =	simm.s32 $0x18900  }
0x1be: {  	[tilespmem:s3], [sflag:$0x7] =	stream.indirect_vreg.gather [hbm4b:s2+s4], $0x80, v36, vm0, $0xb8;
	[tilespmem:$0x1C900] =	vst v63  }
0x1bf: {  	s6 =	simm.s32 $0x19100  }
0x1c0: {  	[tilespmem:s6], [sflag:$0x7] =	stream.indirect_vreg.gather [hbm4b:s2+s4], $0x80, v35, vm0, $0xb8;
	[tilespmem:$0x1C900] =	vst v63  }
0x1c1: {  	v35 =	vld [tilespmem:$0x410];
	_ =	sdelay $0x4  }
0x1c2: {  	v50 =	vshll.u32 v35, $0x1  }
0x1c3: {  	v35 =	vand.u32 $0x7, v35;
	v36 =	vand.u32 $0xFFFFFFF0, v50  }
0x1c4: {  	v35 =	vor.u32 v35, v36  }
0x1c5: {  	v36 =	vperm.xlane v35, v32;
	_ =	sdelay $0x1  }
0x1c6: {  	v35 =	vperm.xlane v35, v34;
	v36 =	vadd.s32 v33, v36;
	_ =	sdelay $0x1  }
0x1c7: {  	v35 =	vadd.s32 v33, v35;
	_ =	sdelay $0x1  }
0x1c8: {  	s7 =	simm.s32 $0x19900  }
0x1c9: {  	[tilespmem:s7], [sflag:$0x7] =	stream.indirect_vreg.gather [hbm4b:s2+s4], $0x80, v36, vm0, $0xb8;
	[tilespmem:$0x1C900] =	vst v63  }
0x1ca: {  	s16 =	simm.s32 $0x1A100  }
0x1cb: {  	[tilespmem:s16], [sflag:$0x7] =	stream.indirect_vreg.gather [hbm4b:s2+s4], $0x80, v35, vm0, $0xb8;
	[tilespmem:$0x1C900] =	vst v63  }
0x1cc: {  	v35 =	vld [tilespmem:$0x420];
	_ =	sdelay $0x4  }
0x1cd: {  	v51 =	vshll.u32 v35, $0x1  }
0x1ce: {  	v35 =	vand.u32 $0x7, v35;
	v36 =	vand.u32 $0xFFFFFFF0, v51  }
0x1cf: {  	v35 =	vor.u32 v35, v36  }
0x1d0: {  	v36 =	vperm.xlane v35, v32;
	_ =	sdelay $0x1  }
0x1d1: {  	v35 =	vperm.xlane v35, v34;
	v36 =	vadd.s32 v33, v36;
	_ =	sdelay $0x1  }
0x1d2: {  	v35 =	vadd.s32 v33, v35;
	_ =	sdelay $0x1  }
0x1d3: {  	s18 =	simm.s32 $0x1A900  }
0x1d4: {  	[tilespmem:s18], [sflag:$0x7] =	stream.indirect_vreg.gather [hbm4b:s2+s4], $0x80, v36, vm0, $0xb8;
	[tilespmem:$0x1C900] =	vst v63  }
0x1d5: {  	s19 =	simm.s32 $0x1B100  }
0x1d6: {  	[tilespmem:s19], [sflag:$0x7] =	stream.indirect_vreg.gather [hbm4b:s2+s4], $0x80, v35, vm0, $0xb8;
	[tilespmem:$0x1C900] =	vst v63  }
0x1d7: {  	v35 =	vld [tilespmem:$0x430];
	_ =	sdelay $0x4  }
0x1d8: {  	v52 =	vshll.u32 v35, $0x1  }
0x1d9: {  	v35 =	vand.u32 $0x7, v35;
	v36 =	vand.u32 $0xFFFFFFF0, v52  }
0x1da: {  	v35 =	vor.u32 v35, v36  }
0x1db: {  	v36 =	vperm.xlane v35, v32;
	_ =	sdelay $0x1  }
0x1dc: {  	v35 =	vperm.xlane v35, v34;
	v36 =	vadd.s32 v33, v36;
	_ =	sdelay $0x1  }
0x1dd: {  	v35 =	vadd.s32 v33, v35;
	_ =	sdelay $0x1  }
0x1de: {  	s23 =	simm.s32 $0x1B900  }
0x1df: {  	[tilespmem:s23], [sflag:$0x7] =	stream.indirect_vreg.gather [hbm4b:s2+s4], $0x80, v36, vm0, $0xb8;
	[tilespmem:$0x1C900] =	vst v63  }
0x1e0: {  	s30 =	simm.s32 $0x1C100;
	s31 =	simm.s32 $0x3  }
0x1e1: {  	[tilespmem:s30], [sflag:$0x7] =	stream.indirect_vreg.gather [hbm4b:s2+s4], $0x80, v35, vm0, $0xb8;
	[tilespmem:$0x1C900] =	vst v63  }
0x1e2: {  	_ =	swait.ge [sflag:s31], $0x4000  }
0x1e3: {  	[sflag:s31] =	ssyncset.done $0x0  }
0x1e4: {  	[sflag:s31] =	ssyncadd.s32 $0xFFFFC000  }
0x1e5: {  	v53 =	vld [tilespmem:$0x600];
	_ =	sdelay $0x4  }
0x1e6: {  	v54 =	vshll.u32 v53, $0x1  }
0x1e7: {  	v35 =	vand.u32 $0x7, v53;
	v36 =	vand.u32 $0xFFFFFFF0, v54  }
0x1e8: {  	v35 =	vor.u32 v35, v36  }
0x1e9: {  	v36 =	vperm.xlane v35, v32;
	_ =	sdelay $0x1  }
0x1ea: {  	v35 =	vperm.xlane v35, v34;
	v36 =	vadd.s32 v33, v36;
	_ =	sdelay $0x1  }
0x1eb: {  	v35 =	vadd.s32 v33, v35;
	_ =	sdelay $0x2  }
0x1ec: {  	[hbm4b:s5+s4] =	stream.indirect_vreg.scatter [tilespmem:s20], [sflag:$0xA], $0x80, v36, vm0, $0xb8;
	[tilespmem:$0x1C900] =	vst v63  }
0x1ed: {  	_ = 	snop  }
0x1ee: {  	[hbm4b:s5+s4] =	stream.indirect_vreg.scatter [tilespmem:s21], [sflag:$0xA], $0x80, v35, vm0, $0xb8;
	[tilespmem:$0x1C900] =	vst v63  }
0x1ef: {  	v35 =	vld [tilespmem:$0x610];
	_ =	sdelay $0x4  }
0x1f0: {  	v55 =	vshll.u32 v35, $0x1  }
0x1f1: {  	v35 =	vand.u32 $0x7, v35;
	v36 =	vand.u32 $0xFFFFFFF0, v55  }
0x1f2: {  	v35 =	vor.u32 v35, v36  }
0x1f3: {  	v36 =	vperm.xlane v35, v32;
	_ =	sdelay $0x1  }
0x1f4: {  	v35 =	vperm.xlane v35, v34;
	v36 =	vadd.s32 v33, v36;
	_ =	sdelay $0x1  }
0x1f5: {  	v35 =	vadd.s32 v33, v35;
	_ =	sdelay $0x2  }
0x1f6: {  	[hbm4b:s5+s4] =	stream.indirect_vreg.scatter [tilespmem:s22], [sflag:$0xA], $0x80, v36, vm0, $0xb8;
	[tilespmem:$0x1C900] =	vst v63  }
0x1f7: {  	_ = 	snop  }
0x1f8: {  	[hbm4b:s5+s4] =	stream.indirect_vreg.scatter [tilespmem:s24], [sflag:$0xA], $0x80, v35, vm0, $0xb8;
	[tilespmem:$0x1C900] =	vst v63  }
0x1f9: {  	v35 =	vld [tilespmem:$0x620];
	_ =	sdelay $0x4  }
0x1fa: {  	v56 =	vshll.u32 v35, $0x1  }
0x1fb: {  	v35 =	vand.u32 $0x7, v35;
	v36 =	vand.u32 $0xFFFFFFF0, v56  }
0x1fc: {  	v35 =	vor.u32 v35, v36  }
0x1fd: {  	v36 =	vperm.xlane v35, v32;
	_ =	sdelay $0x1  }
0x1fe: {  	v35 =	vperm.xlane v35, v34;
	v36 =	vadd.s32 v33, v36;
	_ =	sdelay $0x1  }
0x1ff: {  	v35 =	vadd.s32 v33, v35;
	_ =	sdelay $0x2  }
0x200: {  	[hbm4b:s5+s4] =	stream.indirect_vreg.scatter [tilespmem:s25], [sflag:$0xA], $0x80, v36, vm0, $0xb8;
	[tilespmem:$0x1C900] =	vst v63  }
0x201: {  	_ = 	snop  }
0x202: {  	[hbm4b:s5+s4] =	stream.indirect_vreg.scatter [tilespmem:s26], [sflag:$0xA], $0x80, v35, vm0, $0xb8;
	[tilespmem:$0x1C900] =	vst v63  }
0x203: {  	v35 =	vld [tilespmem:$0x630];
	_ =	sdelay $0x4  }
0x204: {  	v57 =	vshll.u32 v35, $0x1  }
0x205: {  	v35 =	vand.u32 $0x7, v35;
	v36 =	vand.u32 $0xFFFFFFF0, v57  }
0x206: {  	v35 =	vor.u32 v35, v36  }
0x207: {  	v36 =	vperm.xlane v35, v32;
	_ =	sdelay $0x1  }
0x208: {  	v35 =	vperm.xlane v35, v34;
	v36 =	vadd.s32 v33, v36;
	_ =	sdelay $0x1  }
0x209: {  	v35 =	vadd.s32 v33, v35;
	_ =	sdelay $0x2  }
0x20a: {  	[hbm4b:s5+s4] =	stream.indirect_vreg.scatter [tilespmem:s28], [sflag:$0xA], $0x80, v36, vm0, $0xb8;
	[tilespmem:$0x1C900] =	vst v63  }
0x20b: {  	s20 =	simm.s32 $0x8  }
0x20c: {  	[hbm4b:s5+s4] =	stream.indirect_vreg.scatter [tilespmem:s29], [sflag:$0xA], $0x80, v35, vm0, $0xb8;
	[tilespmem:$0x1C900] =	vst v63  }
0x20d: {  	_ =	swait.ge [sflag:s20], $0x4000  }
0x20e: {  	[sflag:s20] =	ssyncset.done $0x0  }
0x20f: {  	[sflag:s20] =	ssyncadd.s32 $0xFFFFC000  }
0x210: {  	v58 =	vld [tilespmem:$0x480];
	_ =	sdelay $0x4  }
0x211: {  	v59 =	vshll.u32 v58, $0x1  }
0x212: {  	v35 =	vand.u32 $0x7, v58;
	v36 =	vand.u32 $0xFFFFFFF0, v59  }
0x213: {  	v35 =	vor.u32 v35, v36  }
0x214: {  	v36 =	vperm.xlane v35, v32;
	_ =	sdelay $0x1  }
0x215: {  	v35 =	vperm.xlane v35, v34;
	v36 =	vadd.s32 v33, v36;
	_ =	sdelay $0x1  }
0x216: {  	v35 =	vadd.s32 v33, v35;
	_ =	sdelay $0x1  }
0x217: {  	s22 =	simm.s32 $0x900  }
0x218: {  	[tilespmem:s22], [sflag:$0x1] =	stream.indirect_vreg.gather [hbm4b:s2+s4], $0x80, v36, vm0, $0xb8;
	[tilespmem:$0x1C900] =	vst v63  }
0x219: {  	s28 =	simm.s32 $0x1100  }
0x21a: {  	[tilespmem:s28], [sflag:$0x1] =	stream.indirect_vreg.gather [hbm4b:s2+s4], $0x80, v35, vm0, $0xb8;
	[tilespmem:$0x1C900] =	vst v63  }
0x21b: {  	v35 =	vld [tilespmem:$0x490];
	_ =	sdelay $0x4  }
0x21c: {  	v60 =	vshll.u32 v35, $0x1  }
0x21d: {  	v35 =	vand.u32 $0x7, v35;
	v36 =	vand.u32 $0xFFFFFFF0, v60  }
0x21e: {  	v35 =	vor.u32 v35, v36  }
0x21f: {  	v36 =	vperm.xlane v35, v32;
	_ =	sdelay $0x1  }
0x220: {  	v35 =	vperm.xlane v35, v34;
	v36 =	vadd.s32 v33, v36;
	_ =	sdelay $0x1  }
0x221: {  	v35 =	vadd.s32 v33, v35;
	_ =	sdelay $0x1  }
0x222: {  	s24 =	simm.s32 $0x1900  }
0x223: {  	[tilespmem:s24], [sflag:$0x1] =	stream.indirect_vreg.gather [hbm4b:s2+s4], $0x80, v36, vm0, $0xb8;
	[tilespmem:$0x1C900] =	vst v63  }
0x224: {  	s29 =	simm.s32 $0x2100  }
0x225: {  	[tilespmem:s29], [sflag:$0x1] =	stream.indirect_vreg.gather [hbm4b:s2+s4], $0x80, v35, vm0, $0xb8;
	[tilespmem:$0x1C900] =	vst v63  }
0x226: {  	v35 =	vld [tilespmem:$0x4A0];
	_ =	sdelay $0x4  }
0x227: {  	v61 =	vshll.u32 v35, $0x1  }
0x228: {  	v35 =	vand.u32 $0x7, v35;
	v36 =	vand.u32 $0xFFFFFFF0, v61  }
0x229: {  	v35 =	vor.u32 v35, v36  }
0x22a: {  	v36 =	vperm.xlane v35, v32;
	_ =	sdelay $0x1  }
0x22b: {  	v35 =	vperm.xlane v35, v34;
	v36 =	vadd.s32 v33, v36;
	_ =	sdelay $0x1  }
0x22c: {  	v35 =	vadd.s32 v33, v35;
	_ =	sdelay $0x1  }
0x22d: {  	s25 =	simm.s32 $0x2900  }
0x22e: {  	[tilespmem:s25], [sflag:$0x1] =	stream.indirect_vreg.gather [hbm4b:s2+s4], $0x80, v36, vm0, $0xb8;
	[tilespmem:$0x1C900] =	vst v63  }
0x22f: {  	s31 =	simm.s32 $0x3100  }
0x230: {  	[tilespmem:s31], [sflag:$0x1] =	stream.indirect_vreg.gather [hbm4b:s2+s4], $0x80, v35, vm0, $0xb8;
	[tilespmem:$0x1C900] =	vst v63  }
0x231: {  	v35 =	vld [tilespmem:$0x4B0];
	_ =	sdelay $0x4  }
0x232: {  	v62 =	vshll.u32 v35, $0x1  }
0x233: {  	v35 =	vand.u32 $0x7, v35;
	v36 =	vand.u32 $0xFFFFFFF0, v62  }
0x234: {  	v35 =	vor.u32 v35, v36  }
0x235: {  	v36 =	vperm.xlane v35, v32;
	_ =	sdelay $0x1  }
0x236: {  	v35 =	vperm.xlane v35, v34;
	v36 =	vadd.s32 v33, v36;
	_ =	sdelay $0x1  }
0x237: {  	v35 =	vadd.s32 v33, v35;
	_ =	sdelay $0x1  }
0x238: {  	s26 =	simm.s32 $0x3900  }
0x239: {  	[tilespmem:s26], [sflag:$0x1] =	stream.indirect_vreg.gather [hbm4b:s2+s4], $0x80, v36, vm0, $0xb8;
	[tilespmem:$0x1C900] =	vst v63  }
0x23a: {  	s21 =	simm.s32 $0x4100  }
0x23b: {  	[tilespmem:s21], [sflag:$0x1] =	stream.indirect_vreg.gather [hbm4b:s2+s4], $0x80, v35, vm0, $0xb8;
	[tilespmem:$0x1C900] =	vst v63  }
0x23c: {  	s21 =	simm.s32 $0x4  }
0x23d: {  	_ =	swait.ge [sflag:s21], $0x4000  }
0x23e: {  	[sflag:s21] =	ssyncset.done $0x0  }
0x23f: {  	[sflag:s21] =	ssyncadd.s32 $0xFFFFC000  }
0x240: {  	v63 =	vld [tilespmem:$0x680];
	_ =	sdelay $0x4  }
0x241: {  	v40 =	vshll.u32 v63, $0x1  }
0x242: {  	v35 =	vand.u32 $0x7, v63;
	v36 =	vand.u32 $0xFFFFFFF0, v40  }
0x243: {  	v35 =	vor.u32 v35, v36  }
0x244: {  	v36 =	vperm.xlane v35, v32;
	_ =	sdelay $0x1  }
0x245: {  	v35 =	vperm.xlane v35, v34;
	v36 =	vadd.s32 v33, v36;
	_ =	sdelay $0x1  }
0x246: {  	v35 =	vadd.s32 v33, v35;
	_ =	sdelay $0x1  }
0x247: {  	s21 =	simm.s32 $0xC900  }
0x248: {  	[hbm4b:s5+s4] =	stream.indirect_vreg.scatter [tilespmem:s21], [sflag:$0xB], $0x80, v36, vm0, $0xb8;
	[tilespmem:$0x1C900] =	vst v63  }
0x249: {  	s21 =	simm.s32 $0xD100  }
0x24a: {  	[hbm4b:s5+s4] =	stream.indirect_vreg.scatter [tilespmem:s21], [sflag:$0xB], $0x80, v35, vm0, $0xb8;
	[tilespmem:$0x1C900] =	vst v63  }
0x24b: {  	v35 =	vld [tilespmem:$0x690];
	_ =	sdelay $0x4  }
0x24c: {  	v41 =	vshll.u32 v35, $0x1  }
0x24d: {  	v35 =	vand.u32 $0x7, v35;
	v36 =	vand.u32 $0xFFFFFFF0, v41  }
0x24e: {  	v35 =	vor.u32 v35, v36  }
0x24f: {  	v36 =	vperm.xlane v35, v32;
	_ =	sdelay $0x1  }
0x250: {  	v35 =	vperm.xlane v35, v34;
	v36 =	vadd.s32 v33, v36;
	_ =	sdelay $0x1  }
0x251: {  	v35 =	vadd.s32 v33, v35;
	_ =	sdelay $0x1  }
0x252: {  	s21 =	simm.s32 $0xD900  }
0x253: {  	[hbm4b:s5+s4] =	stream.indirect_vreg.scatter [tilespmem:s21], [sflag:$0xB], $0x80, v36, vm0, $0xb8;
	[tilespmem:$0x1C900] =	vst v63  }
0x254: {  	s21 =	simm.s32 $0xE100  }
0x255: {  	[hbm4b:s5+s4] =	stream.indirect_vreg.scatter [tilespmem:s21], [sflag:$0xB], $0x80, v35, vm0, $0xb8;
	[tilespmem:$0x1C900] =	vst v63  }
0x256: {  	v35 =	vld [tilespmem:$0x6A0];
	_ =	sdelay $0x4  }
0x257: {  	v42 =	vshll.u32 v35, $0x1  }
0x258: {  	v35 =	vand.u32 $0x7, v35;
	v36 =	vand.u32 $0xFFFFFFF0, v42  }
0x259: {  	v35 =	vor.u32 v35, v36  }
0x25a: {  	v36 =	vperm.xlane v35, v32;
	_ =	sdelay $0x1  }
0x25b: {  	v35 =	vperm.xlane v35, v34;
	v36 =	vadd.s32 v33, v36;
	_ =	sdelay $0x1  }
0x25c: {  	v35 =	vadd.s32 v33, v35;
	_ =	sdelay $0x1  }
0x25d: {  	s21 =	simm.s32 $0xE900  }
0x25e: {  	[hbm4b:s5+s4] =	stream.indirect_vreg.scatter [tilespmem:s21], [sflag:$0xB], $0x80, v36, vm0, $0xb8;
	[tilespmem:$0x1C900] =	vst v63  }
0x25f: {  	s21 =	simm.s32 $0xF100  }
0x260: {  	[hbm4b:s5+s4] =	stream.indirect_vreg.scatter [tilespmem:s21], [sflag:$0xB], $0x80, v35, vm0, $0xb8;
	[tilespmem:$0x1C900] =	vst v63  }
0x261: {  	v35 =	vld [tilespmem:$0x6B0];
	_ =	sdelay $0x4  }
0x262: {  	v43 =	vshll.u32 v35, $0x1  }
0x263: {  	v35 =	vand.u32 $0x7, v35;
	v36 =	vand.u32 $0xFFFFFFF0, v43  }
0x264: {  	v35 =	vor.u32 v35, v36  }
0x265: {  	v36 =	vperm.xlane v35, v32;
	_ =	sdelay $0x1  }
0x266: {  	v35 =	vperm.xlane v35, v34;
	v36 =	vadd.s32 v33, v36;
	_ =	sdelay $0x1  }
0x267: {  	v35 =	vadd.s32 v33, v35;
	_ =	sdelay $0x1  }
0x268: {  	s21 =	simm.s32 $0xF900  }
0x269: {  	[hbm4b:s5+s4] =	stream.indirect_vreg.scatter [tilespmem:s21], [sflag:$0xB], $0x80, v36, vm0, $0xb8;
	[tilespmem:$0x1C900] =	vst v63  }
0x26a: {  	s21 =	simm.s32 $0x10100  }
0x26b: {  	[hbm4b:s5+s4] =	stream.indirect_vreg.scatter [tilespmem:s21], [sflag:$0xB], $0x80, v35, vm0, $0xb8;
	[tilespmem:$0x1C900] =	vst v63  }
0x26c: {  	s21 =	simm.s32 $0x5  }
0x26d: {  	_ =	swait.ge [sflag:s21], $0x4000  }
0x26e: {  	[sflag:s21] =	ssyncset.done $0x0  }
0x26f: {  	[sflag:s21] =	ssyncadd.s32 $0xFFFFC000  }
0x270: {  	v44 =	vld [tilespmem:$0x700];
	_ =	sdelay $0x4  }
0x271: {  	v45 =	vshll.u32 v44, $0x1  }
0x272: {  	v35 =	vand.u32 $0x7, v44;
	v36 =	vand.u32 $0xFFFFFFF0, v45  }
0x273: {  	v35 =	vor.u32 v35, v36  }
0x274: {  	v36 =	vperm.xlane v35, v32;
	_ =	sdelay $0x1  }
0x275: {  	v35 =	vperm.xlane v35, v34;
	v36 =	vadd.s32 v33, v36;
	_ =	sdelay $0x1  }
0x276: {  	v35 =	vadd.s32 v33, v35;
	_ =	sdelay $0x1  }
0x277: {  	s21 =	simm.s32 $0x10900  }
0x278: {  	[hbm4b:s5+s4] =	stream.indirect_vreg.scatter [tilespmem:s21], [sflag:$0xC], $0x80, v36, vm0, $0xb8;
	[tilespmem:$0x1C900] =	vst v63  }
0x279: {  	s21 =	simm.s32 $0x11100  }
0x27a: {  	[hbm4b:s5+s4] =	stream.indirect_vreg.scatter [tilespmem:s21], [sflag:$0xC], $0x80, v35, vm0, $0xb8;
	[tilespmem:$0x1C900] =	vst v63  }
0x27b: {  	v35 =	vld [tilespmem:$0x710];
	_ =	sdelay $0x4  }
0x27c: {  	v46 =	vshll.u32 v35, $0x1  }
0x27d: {  	v35 =	vand.u32 $0x7, v35;
	v36 =	vand.u32 $0xFFFFFFF0, v46  }
0x27e: {  	v35 =	vor.u32 v35, v36  }
0x27f: {  	v36 =	vperm.xlane v35, v32;
	_ =	sdelay $0x1  }
0x280: {  	v35 =	vperm.xlane v35, v34;
	v36 =	vadd.s32 v33, v36;
	_ =	sdelay $0x1  }
0x281: {  	v35 =	vadd.s32 v33, v35;
	_ =	sdelay $0x1  }
0x282: {  	s21 =	simm.s32 $0x11900  }
0x283: {  	[hbm4b:s5+s4] =	stream.indirect_vreg.scatter [tilespmem:s21], [sflag:$0xC], $0x80, v36, vm0, $0xb8;
	[tilespmem:$0x1C900] =	vst v63  }
0x284: {  	s21 =	simm.s32 $0x12100  }
0x285: {  	[hbm4b:s5+s4] =	stream.indirect_vreg.scatter [tilespmem:s21], [sflag:$0xC], $0x80, v35, vm0, $0xb8;
	[tilespmem:$0x1C900] =	vst v63  }
0x286: {  	v35 =	vld [tilespmem:$0x720];
	_ =	sdelay $0x4  }
0x287: {  	v47 =	vshll.u32 v35, $0x1  }
0x288: {  	v35 =	vand.u32 $0x7, v35;
	v36 =	vand.u32 $0xFFFFFFF0, v47  }
0x289: {  	v35 =	vor.u32 v35, v36  }
0x28a: {  	v36 =	vperm.xlane v35, v32;
	_ =	sdelay $0x1  }
0x28b: {  	v35 =	vperm.xlane v35, v34;
	v36 =	vadd.s32 v33, v36;
	_ =	sdelay $0x1  }
0x28c: {  	v35 =	vadd.s32 v33, v35;
	_ =	sdelay $0x1  }
0x28d: {  	s21 =	simm.s32 $0x12900  }
0x28e: {  	[hbm4b:s5+s4] =	stream.indirect_vreg.scatter [tilespmem:s21], [sflag:$0xC], $0x80, v36, vm0, $0xb8;
	[tilespmem:$0x1C900] =	vst v63  }
0x28f: {  	s21 =	simm.s32 $0x13100  }
0x290: {  	[hbm4b:s5+s4] =	stream.indirect_vreg.scatter [tilespmem:s21], [sflag:$0xC], $0x80, v35, vm0, $0xb8;
	[tilespmem:$0x1C900] =	vst v63  }
0x291: {  	v35 =	vld [tilespmem:$0x730];
	_ =	sdelay $0x4  }
0x292: {  	v48 =	vshll.u32 v35, $0x1  }
0x293: {  	v35 =	vand.u32 $0x7, v35;
	v36 =	vand.u32 $0xFFFFFFF0, v48  }
0x294: {  	v35 =	vor.u32 v35, v36  }
0x295: {  	v36 =	vperm.xlane v35, v32;
	_ =	sdelay $0x1  }
0x296: {  	v35 =	vperm.xlane v35, v34;
	v36 =	vadd.s32 v33, v36;
	_ =	sdelay $0x1  }
0x297: {  	v35 =	vadd.s32 v33, v35;
	_ =	sdelay $0x1  }
0x298: {  	s21 =	simm.s32 $0x13900  }
0x299: {  	[hbm4b:s5+s4] =	stream.indirect_vreg.scatter [tilespmem:s21], [sflag:$0xC], $0x80, v36, vm0, $0xb8;
	[tilespmem:$0x1C900] =	vst v63  }
0x29a: {  	s21 =	simm.s32 $0x14100  }
0x29b: {  	[hbm4b:s5+s4] =	stream.indirect_vreg.scatter [tilespmem:s21], [sflag:$0xC], $0x80, v35, vm0, $0xb8;
	[tilespmem:$0x1C900] =	vst v63  }
0x29c: {  	s21 =	simm.s32 $0x6  }
0x29d: {  	_ =	swait.ge [sflag:s21], $0x4000  }
0x29e: {  	[sflag:s21] =	ssyncset.done $0x0  }
0x29f: {  	[sflag:s21] =	ssyncadd.s32 $0xFFFFC000  }
0x2a0: {  	v49 =	vld [tilespmem:$0x780];
	_ =	sdelay $0x4  }
0x2a1: {  	v50 =	vshll.u32 v49, $0x1  }
0x2a2: {  	v35 =	vand.u32 $0x7, v49;
	v36 =	vand.u32 $0xFFFFFFF0, v50  }
0x2a3: {  	v35 =	vor.u32 v35, v36  }
0x2a4: {  	v36 =	vperm.xlane v35, v32;
	_ =	sdelay $0x1  }
0x2a5: {  	v35 =	vperm.xlane v35, v34;
	v36 =	vadd.s32 v33, v36;
	_ =	sdelay $0x1  }
0x2a6: {  	v35 =	vadd.s32 v33, v35;
	_ =	sdelay $0x2  }
0x2a7: {  	[hbm4b:s5+s4] =	stream.indirect_vreg.scatter [tilespmem:s8], [sflag:$0xD], $0x80, v36, vm0, $0xb8;
	[tilespmem:$0x1C900] =	vst v63  }
0x2a8: {  	_ = 	snop  }
0x2a9: {  	[hbm4b:s5+s4] =	stream.indirect_vreg.scatter [tilespmem:s9], [sflag:$0xD], $0x80, v35, vm0, $0xb8;
	[tilespmem:$0x1C900] =	vst v63  }
0x2aa: {  	v35 =	vld [tilespmem:$0x790];
	_ =	sdelay $0x4  }
0x2ab: {  	v51 =	vshll.u32 v35, $0x1  }
0x2ac: {  	v35 =	vand.u32 $0x7, v35;
	v36 =	vand.u32 $0xFFFFFFF0, v51  }
0x2ad: {  	v35 =	vor.u32 v35, v36  }
0x2ae: {  	v36 =	vperm.xlane v35, v32;
	_ =	sdelay $0x1  }
0x2af: {  	v35 =	vperm.xlane v35, v34;
	v36 =	vadd.s32 v33, v36;
	_ =	sdelay $0x1  }
0x2b0: {  	v35 =	vadd.s32 v33, v35;
	_ =	sdelay $0x2  }
0x2b1: {  	[hbm4b:s5+s4] =	stream.indirect_vreg.scatter [tilespmem:s10], [sflag:$0xD], $0x80, v36, vm0, $0xb8;
	[tilespmem:$0x1C900] =	vst v63  }
0x2b2: {  	_ = 	snop  }
0x2b3: {  	[hbm4b:s5+s4] =	stream.indirect_vreg.scatter [tilespmem:s11], [sflag:$0xD], $0x80, v35, vm0, $0xb8;
	[tilespmem:$0x1C900] =	vst v63  }
0x2b4: {  	v35 =	vld [tilespmem:$0x7A0];
	_ =	sdelay $0x4  }
0x2b5: {  	v52 =	vshll.u32 v35, $0x1  }
0x2b6: {  	v35 =	vand.u32 $0x7, v35;
	v36 =	vand.u32 $0xFFFFFFF0, v52  }
0x2b7: {  	v35 =	vor.u32 v35, v36  }
0x2b8: {  	v36 =	vperm.xlane v35, v32;
	_ =	sdelay $0x1  }
0x2b9: {  	v35 =	vperm.xlane v35, v34;
	v36 =	vadd.s32 v33, v36;
	_ =	sdelay $0x1  }
0x2ba: {  	v35 =	vadd.s32 v33, v35;
	_ =	sdelay $0x2  }
0x2bb: {  	[hbm4b:s5+s4] =	stream.indirect_vreg.scatter [tilespmem:s12], [sflag:$0xD], $0x80, v36, vm0, $0xb8;
	[tilespmem:$0x1C900] =	vst v63  }
0x2bc: {  	_ = 	snop  }
0x2bd: {  	[hbm4b:s5+s4] =	stream.indirect_vreg.scatter [tilespmem:s13], [sflag:$0xD], $0x80, v35, vm0, $0xb8;
	[tilespmem:$0x1C900] =	vst v63  }
0x2be: {  	v35 =	vld [tilespmem:$0x7B0];
	_ =	sdelay $0x4  }
0x2bf: {  	v53 =	vshll.u32 v35, $0x1  }
0x2c0: {  	v35 =	vand.u32 $0x7, v35;
	v36 =	vand.u32 $0xFFFFFFF0, v53  }
0x2c1: {  	v35 =	vor.u32 v35, v36  }
0x2c2: {  	v36 =	vperm.xlane v35, v32;
	_ =	sdelay $0x1  }
0x2c3: {  	v35 =	vperm.xlane v35, v34;
	v36 =	vadd.s32 v33, v36;
	_ =	sdelay $0x1  }
0x2c4: {  	v35 =	vadd.s32 v33, v35;
	_ =	sdelay $0x2  }
0x2c5: {  	[hbm4b:s5+s4] =	stream.indirect_vreg.scatter [tilespmem:s14], [sflag:$0xD], $0x80, v36, vm0, $0xb8;
	[tilespmem:$0x1C900] =	vst v63  }
0x2c6: {  	s21 =	simm.s32 $0x7  }
0x2c7: {  	[hbm4b:s5+s4] =	stream.indirect_vreg.scatter [tilespmem:s15], [sflag:$0xD], $0x80, v35, vm0, $0xb8;
	[tilespmem:$0x1C900] =	vst v63  }
0x2c8: {  	_ =	swait.ge [sflag:s21], $0x4000  }
0x2c9: {  	[sflag:s21] =	ssyncset.done $0x0  }
0x2ca: {  	[sflag:s21] =	ssyncadd.s32 $0xFFFFC000  }
0x2cb: {  	v54 =	vld [tilespmem:$0x800];
	_ =	sdelay $0x4  }
0x2cc: {  	v55 =	vshll.u32 v54, $0x1  }
0x2cd: {  	v35 =	vand.u32 $0x7, v54;
	v36 =	vand.u32 $0xFFFFFFF0, v55  }
0x2ce: {  	v35 =	vor.u32 v35, v36  }
0x2cf: {  	v36 =	vperm.xlane v35, v32;
	_ =	sdelay $0x1  }
0x2d0: {  	v35 =	vperm.xlane v35, v34;
	v36 =	vadd.s32 v33, v36;
	_ =	sdelay $0x1  }
0x2d1: {  	v35 =	vadd.s32 v33, v35;
	_ =	sdelay $0x2  }
0x2d2: {  	[hbm4b:s5+s4] =	stream.indirect_vreg.scatter [tilespmem:s3], [sflag:$0xE], $0x80, v36, vm0, $0xb8;
	[tilespmem:$0x1C900] =	vst v63  }
0x2d3: {  	_ = 	snop  }
0x2d4: {  	[hbm4b:s5+s4] =	stream.indirect_vreg.scatter [tilespmem:s6], [sflag:$0xE], $0x80, v35, vm0, $0xb8;
	[tilespmem:$0x1C900] =	vst v63  }
0x2d5: {  	v35 =	vld [tilespmem:$0x810];
	_ =	sdelay $0x4  }
0x2d6: {  	v56 =	vshll.u32 v35, $0x1  }
0x2d7: {  	v35 =	vand.u32 $0x7, v35;
	v36 =	vand.u32 $0xFFFFFFF0, v56  }
0x2d8: {  	v35 =	vor.u32 v35, v36  }
0x2d9: {  	v36 =	vperm.xlane v35, v32;
	_ =	sdelay $0x1  }
0x2da: {  	v35 =	vperm.xlane v35, v34;
	v36 =	vadd.s32 v33, v36;
	_ =	sdelay $0x1  }
0x2db: {  	v35 =	vadd.s32 v33, v35;
	_ =	sdelay $0x2  }
0x2dc: {  	[hbm4b:s5+s4] =	stream.indirect_vreg.scatter [tilespmem:s7], [sflag:$0xE], $0x80, v36, vm0, $0xb8;
	[tilespmem:$0x1C900] =	vst v63  }
0x2dd: {  	_ = 	snop  }
0x2de: {  	[hbm4b:s5+s4] =	stream.indirect_vreg.scatter [tilespmem:s16], [sflag:$0xE], $0x80, v35, vm0, $0xb8;
	[tilespmem:$0x1C900] =	vst v63  }
0x2df: {  	v35 =	vld [tilespmem:$0x820];
	_ =	sdelay $0x4  }
0x2e0: {  	v57 =	vshll.u32 v35, $0x1  }
0x2e1: {  	v35 =	vand.u32 $0x7, v35;
	v36 =	vand.u32 $0xFFFFFFF0, v57  }
0x2e2: {  	v35 =	vor.u32 v35, v36  }
0x2e3: {  	v36 =	vperm.xlane v35, v32;
	_ =	sdelay $0x1  }
0x2e4: {  	v35 =	vperm.xlane v35, v34;
	v36 =	vadd.s32 v33, v36;
	_ =	sdelay $0x1  }
0x2e5: {  	v35 =	vadd.s32 v33, v35;
	_ =	sdelay $0x2  }
0x2e6: {  	[hbm4b:s5+s4] =	stream.indirect_vreg.scatter [tilespmem:s18], [sflag:$0xE], $0x80, v36, vm0, $0xb8;
	[tilespmem:$0x1C900] =	vst v63  }
0x2e7: {  	_ = 	snop  }
0x2e8: {  	[hbm4b:s5+s4] =	stream.indirect_vreg.scatter [tilespmem:s19], [sflag:$0xE], $0x80, v35, vm0, $0xb8;
	[tilespmem:$0x1C900] =	vst v63  }
0x2e9: {  	v35 =	vld [tilespmem:$0x830];
	_ =	sdelay $0x4  }
0x2ea: {  	v58 =	vshll.u32 v35, $0x1  }
0x2eb: {  	v35 =	vand.u32 $0x7, v35;
	v36 =	vand.u32 $0xFFFFFFF0, v58  }
0x2ec: {  	v35 =	vor.u32 v35, v36  }
0x2ed: {  	v36 =	vperm.xlane v35, v32;
	_ =	sdelay $0x1  }
0x2ee: {  	v35 =	vperm.xlane v35, v34;
	v36 =	vadd.s32 v33, v36;
	_ =	sdelay $0x1  }
0x2ef: {  	v35 =	vadd.s32 v33, v35;
	_ =	sdelay $0x2  }
0x2f0: {  	[hbm4b:s5+s4] =	stream.indirect_vreg.scatter [tilespmem:s23], [sflag:$0xE], $0x80, v36, vm0, $0xb8;
	[tilespmem:$0x1C900] =	vst v63  }
0x2f1: {  	_ = 	snop  }
0x2f2: {  	[hbm4b:s5+s4] =	stream.indirect_vreg.scatter [tilespmem:s30], [sflag:$0xE], $0x80, v35, vm0, $0xb8;
	[tilespmem:$0x1C900] =	vst v63  }
0x2f3: {  	_ =	swait.ge [sflag:s0], $0x4000  }
0x2f4: {  	[sflag:s0] =	ssyncset.done $0x0  }
0x2f5: {  	[sflag:s0] =	ssyncadd.s32 $0xFFFFC000  }
0x2f6: {  	v59 =	vld [tilespmem:$0x880];
	_ =	sdelay $0x4  }
0x2f7: {  	v60 =	vshll.u32 v59, $0x1  }
0x2f8: {  	v35 =	vand.u32 $0x7, v59;
	v36 =	vand.u32 $0xFFFFFFF0, v60  }
0x2f9: {  	v35 =	vor.u32 v35, v36  }
0x2fa: {  	v36 =	vperm.xlane v35, v32;
	_ =	sdelay $0x1  }
0x2fb: {  	v35 =	vperm.xlane v35, v34;
	v36 =	vadd.s32 v33, v36;
	_ =	sdelay $0x1  }
0x2fc: {  	v35 =	vadd.s32 v33, v35;
	_ =	sdelay $0x2  }
0x2fd: {  	[hbm4b:s5+s4] =	stream.indirect_vreg.scatter [tilespmem:s22], [sflag:$0x8], $0x80, v36, vm0, $0xb8;
	[tilespmem:$0x1C900] =	vst v63  }
0x2fe: {  	_ = 	snop  }
0x2ff: {  	[hbm4b:s5+s4] =	stream.indirect_vreg.scatter [tilespmem:s28], [sflag:$0x8], $0x80, v35, vm0, $0xb8;
	[tilespmem:$0x1C900] =	vst v63  }
0x300: {  	v35 =	vld [tilespmem:$0x890];
	_ =	sdelay $0x4  }
0x301: {  	v61 =	vshll.u32 v35, $0x1  }
0x302: {  	v35 =	vand.u32 $0x7, v35;
	v36 =	vand.u32 $0xFFFFFFF0, v61  }
0x303: {  	v35 =	vor.u32 v35, v36  }
0x304: {  	v36 =	vperm.xlane v35, v32;
	_ =	sdelay $0x1  }
0x305: {  	v35 =	vperm.xlane v35, v34;
	v36 =	vadd.s32 v33, v36;
	_ =	sdelay $0x1  }
0x306: {  	v35 =	vadd.s32 v33, v35;
	_ =	sdelay $0x2  }
0x307: {  	[hbm4b:s5+s4] =	stream.indirect_vreg.scatter [tilespmem:s24], [sflag:$0x8], $0x80, v36, vm0, $0xb8;
	[tilespmem:$0x1C900] =	vst v63  }
0x308: {  	_ = 	snop  }
0x309: {  	[hbm4b:s5+s4] =	stream.indirect_vreg.scatter [tilespmem:s29], [sflag:$0x8], $0x80, v35, vm0, $0xb8;
	[tilespmem:$0x1C900] =	vst v63  }
0x30a: {  	v35 =	vld [tilespmem:$0x8A0];
	_ =	sdelay $0x4  }
0x30b: {  	v62 =	vshll.u32 v35, $0x1  }
0x30c: {  	v35 =	vand.u32 $0x7, v35;
	v36 =	vand.u32 $0xFFFFFFF0, v62  }
0x30d: {  	v35 =	vor.u32 v35, v36  }
0x30e: {  	v36 =	vperm.xlane v35, v32;
	_ =	sdelay $0x1  }
0x30f: {  	v35 =	vperm.xlane v35, v34;
	v36 =	vadd.s32 v33, v36;
	_ =	sdelay $0x1  }
0x310: {  	v35 =	vadd.s32 v33, v35;
	_ =	sdelay $0x2  }
0x311: {  	[hbm4b:s5+s4] =	stream.indirect_vreg.scatter [tilespmem:s25], [sflag:$0x8], $0x80, v36, vm0, $0xb8;
	[tilespmem:$0x1C900] =	vst v63  }
0x312: {  	_ = 	snop  }
0x313: {  	[hbm4b:s5+s4] =	stream.indirect_vreg.scatter [tilespmem:s31], [sflag:$0x8], $0x80, v35, vm0, $0xb8;
	[tilespmem:$0x1C900] =	vst v63  }
0x314: {  	v35 =	vld [tilespmem:$0x8B0];
	_ =	sdelay $0x4  }
0x315: {  	v63 =	vshll.u32 v35, $0x1  }
0x316: {  	v35 =	vand.u32 $0x7, v35;
	v36 =	vand.u32 $0xFFFFFFF0, v63  }
0x317: {  	v35 =	vor.u32 v35, v36  }
0x318: {  	v36 =	vperm.xlane v35, v32;
	_ =	sdelay $0x1  }
0x319: {  	v35 =	vperm.xlane v35, v34;
	v36 =	vadd.s32 v33, v36;
	_ =	sdelay $0x1  }
0x31a: {  	v35 =	vadd.s32 v33, v35;
	_ =	sdelay $0x2  }
0x31b: {  	[hbm4b:s5+s4] =	stream.indirect_vreg.scatter [tilespmem:s26], [sflag:$0x8], $0x80, v36, vm0, $0xb8;
	[tilespmem:$0x1C900] =	vst v63  }
0x31c: {  	s24 =	simm.s32 $0x4100;
	s25 =	simm.s32 $0x9  }
0x31d: {  	[hbm4b:s5+s4] =	stream.indirect_vreg.scatter [tilespmem:s24], [sflag:$0x8], $0x80, v35, vm0, $0xb8;
	[tilespmem:$0x1C900] =	vst v63  }
0x31e: {  	_ =	swait.ge [sflag:s25], $0x4000  }
0x31f: {  	[sflag:s25] =	ssyncset.done $0x0  }
0x320: {  	s26 =	simm.s32 $0xA;
	[sflag:s25] =	ssyncadd.s32 $0xFFFFC000  }
0x321: {  	_ =	swait.ge [sflag:s26], $0x4000  }
0x322: {  	[sflag:s26] =	ssyncset.done $0x0  }
0x323: {  	s28 =	simm.s32 $0xB;
	[sflag:s26] =	ssyncadd.s32 $0xFFFFC000  }
0x324: {  	_ =	swait.ge [sflag:s28], $0x4000  }
0x325: {  	[sflag:s28] =	ssyncset.done $0x0  }
0x326: {  	s29 =	simm.s32 $0xC;
	[sflag:s28] =	ssyncadd.s32 $0xFFFFC000  }
0x327: {  	_ =	swait.ge [sflag:s29], $0x4000  }
0x328: {  	[sflag:s29] =	ssyncset.done $0x0  }
0x329: {  	s30 =	simm.s32 $0xD;
	[sflag:s29] =	ssyncadd.s32 $0xFFFFC000  }
0x32a: {  	_ =	swait.ge [sflag:s30], $0x4000  }
0x32b: {  	[sflag:s30] =	ssyncset.done $0x0  }
0x32c: {  	s31 =	simm.s32 $0xE;
	[sflag:s30] =	ssyncadd.s32 $0xFFFFC000  }
0x32d: {  	p0 =	sne.s32 s17, $0x1;
	_ =	swait.ge [sflag:s31], $0x4000  }
.Ltmp0:
0x32e: {  	[sflag:s31] =	ssyncset.done $0x0;
	(pc) =	sbr.rel @p0 .LBB2_1-.Ltmp0, $4  }
0x32f: {  	[sflag:s31] =	ssyncadd.s32 $0xFFFFC000  }
0x330: {  	_ =	swait.ge [sflag:s20], $0x4000  }
0x331: {  	[sflag:s20] =	ssyncset.done $0x0  }
0x332: {  	s17 =	sadd.s32 $0xFFFFFFFF, s17;
	[sflag:s20] =	ssyncadd.s32 $0xFFFFC000  }
0x333: {  	_ =	sfence.sel $0x180000  }
0x334: {  	[bflag:$0x0] =	sbarrier.arrive $0xFFFF  }
0x335: {  	_ =	strace $0x90000047  }
0x336: {  	s0 =	stileid.u32;
	[bflag:$0x2] =	sbarrier.arrive $0xFFFF  }
0x337: {  	p0 =	sne.s32 s0, $0x0;
	s0 =	rddreg [dreg:$0x4]  }
0x338: {  	s0 =	sadd.s32 @!p0 $0x100000, s0  }
0x339: {  	[sflag:s0] =	ssyncadd.tile.s32 @!p0 $0x1;
	_ =	shalt  }
.Lfunc_end2:
_tile_overlayer_lowered:
.L_overlay_start_2:
0x33a: {  	(tag) =	ssettag $0x2  }
0x33b: {  	s0 =	rddreg [dreg:$0x0];
	s2 =	stileid.u32  }
0x33c: {  	s1 =	rddreg [dreg:$0x1];
	p0 =	sne.s32 s2, $0x0  }
0x33d: {  	s3 =	rddreg [dreg:$0x2];
	[bflag:$0x3] =	sbarrier.arrive $0xFFFF;
	s2 =	simm.s32 @!p0 $0x1C0F  }
0x33e: {  	[timem:s3], [sflag:s2] =	dma.local @!p0 [hbm:s0], s1  }
0x33f: {  	s0 =	simm.s32 @!p0 $0xF  }
0x340: {  	_ =	swait.ge @!p0 [sflag:s0], s1  }
0x341: {  	s1 =	ssub.s32 @!p0 $0x0, s1;
	[sflag:s0] =	ssyncset.done @!p0 $0x0  }
0x342: {  	[sflag:s0] =	ssyncadd.s32 @!p0 s1  }
0x343: {  	[bflag:$0x3] =	sbarrier.arrive $0xFFFF  }
0x344: {  	_ =	shalt  }

</sc_bundles>
